<compile_context>
chip_gen: v7x
topology: tpu7x:2x2x1
jax: 0.10.2.dev20260603
libtpu: 0.0.44.dev20260713+nightly
codegen_flags: <defaults>
</compile_context>

<pallas_src>
import functools

import jax
import jax.numpy as jnp
from jax import lax
from jax.experimental import pallas as pl
from jax.experimental.pallas import tpu as pltpu
from jax.experimental.pallas import tpu_sc as plsc

N_VOCAB = 100000
HID = 128
EMB = 64
B = 1024
L = 50

_NC = 2
_NS = 16
_NW = _NC * _NS

_BN = 2048
_NBF = N_VOCAB // _BN
_TAIL = N_VOCAB - _NBF * _BN
_NO = 2
_NWS = 30
_TSLOT = _NBF - _NWS
_NX = 4


def _make_gather():
    n_idx = B * L
    per_w = n_idx // _NW
    mesh = plsc.VectorSubcoreMesh(core_axis_name="c", subcore_axis_name="s",
                                  num_cores=_NC, num_subcores=_NS)

    @functools.partial(
        pl.kernel,
        out_type=jax.ShapeDtypeStruct((n_idx, EMB), jnp.float32),
        mesh=mesh,
        scratch_types=[
            pltpu.VMEM((per_w,), jnp.int32),
            pltpu.VMEM((per_w, EMB), jnp.float32),
            pltpu.SemaphoreType.DMA,
        ],
        compiler_params=pltpu.CompilerParams(use_tc_tiling_on_sc=False),
    )
    def gather(idx_hbm, table_hbm, out_hbm, idx_v, rows_v, sem):
        wid = lax.axis_index("s") * _NC + lax.axis_index("c")
        base = wid * per_w
        pltpu.sync_copy(idx_hbm.at[pl.ds(base, per_w)], idx_v)
        pltpu.async_copy(table_hbm.at[idx_v], rows_v, sem).wait()
        pltpu.sync_copy(rows_v, out_hbm.at[pl.ds(base, per_w)])

    return gather


_gather_cache = []


def _gather(idx, table):
    if not _gather_cache:
        _gather_cache.append(_make_gather())
    return _gather_cache[0](idx, table)


def _mega_body(wih0, whh0, bi0, bh0, wih1, whh1, bi1, bh1, bfc_ref,
               emb_hbm, w_hbm, out_hbm,
               h0, c0, h1, c1, xbuf, w_buf, tw_buf, o_buf, o_tail,
               xsem, wsem, tsem, osem):
    def w_copy(i, slot):
        return pltpu.make_async_copy(
            w_hbm.at[pl.ds(i * _BN, _BN)], w_buf.at[slot], wsem.at[slot])

    def x_copy(t, slot):
        return pltpu.make_async_copy(
            emb_hbm.at[t], xbuf.at[slot], xsem.at[slot])

    tail_w = pltpu.make_async_copy(
        w_hbm.at[pl.ds(_NBF * _BN, _TAIL)], tw_buf, tsem.at[0])

    for s in range(_NX):
        x_copy(s, s).start()
    w_copy(0, 0).start()
    w_copy(1, 1).start()
    tail_w.start()

    zeros = jnp.zeros((B, HID), jnp.float32)
    c0[...] = zeros
    h1[...] = zeros
    c1[...] = zeros
    b0 = bi0[...] + bh0[...]
    b1 = bi1[...] + bh1[...]
    w_ih0 = wih0[...]
    w_hh0 = whh0[...]
    w_ih1 = wih1[...]
    w_hh1 = whh1[...]

    def act(g, b):
        g = g + b
        i = jax.nn.sigmoid(g[:, 0:HID])
        f = jax.nn.sigmoid(g[:, HID:2 * HID])
        gg = jnp.tanh(g[:, 2 * HID:3 * HID])
        o = jax.nn.sigmoid(g[:, 3 * HID:4 * HID])
        return i, f, gg, o

    def dotc(a, w):
        return lax.dot_general(a, w, (((1,), (1,)), ((), ())),
                               preferred_element_type=jnp.float32)

    x_copy(0, 0).wait()
    i0, f0, g0, o0 = act(dotc(xbuf[0], w_ih0), b0)
    c_new = i0 * g0
    c0[...] = c_new
    h0[...] = o0 * jnp.tanh(c_new)

    def step(t, _):
        hp = h0[...]
        xslot = lax.rem(t, _NX)
        x_copy(t, xslot).wait()
        x = xbuf[xslot]

        @pl.when(t + _NX - 1 < L)
        def _():
            x_copy(t + _NX - 1, lax.rem(t + _NX - 1, _NX)).start()

        @pl.when(t <= (_NWS - 2) // 2)
        def _():
            w_copy(2 * t, 2 * t).start()
            w_copy(2 * t + 1, 2 * t + 1).start()

        ga = dotc(x, w_ih0) + dotc(hp, w_hh0)
        gb = dotc(hp, w_ih1) + dotc(h1[...], w_hh1)

        ia, fa, gga, oa = act(ga, b0)
        ca = fa * c0[...] + ia * gga
        c0[...] = ca
        h0[...] = oa * jnp.tanh(ca)

        ib, fb, ggb, ob = act(gb, b1)
        cb = fb * c1[...] + ib * ggb
        c1[...] = cb
        h1[...] = ob * jnp.tanh(cb)
        return 0

    lax.fori_loop(1, L, step, 0, unroll=False)

    hp = h0[...]
    gb = dotc(hp, w_ih1) + dotc(h1[...], w_hh1)
    ib, fb, ggb, ob = act(gb, b1)
    ht = ob * jnp.tanh(fb * c1[...] + ib * ggb)

    tail_w.wait()
    o_tail[...] = (dotc(ht, tw_buf[...])
                   + bfc_ref[:, pl.ds(_NBF * _BN, _TAIL)])
    to = pltpu.make_async_copy(
        o_tail, out_hbm.at[:, pl.ds(_NBF * _BN, _TAIL)], tsem.at[0])
    to.start()

    def o_copy(i, slot):
        return pltpu.make_async_copy(
            o_buf.at[slot], out_hbm.at[:, pl.ds(i * _BN, _BN)], osem.at[slot])

    def fc_step(i, _):
        wslot = lax.rem(i, _NWS)
        oslot = lax.rem(i, _NO)
        w_copy(i, wslot).wait()

        @pl.when(i >= _NO)
        def _():
            o_copy(i - _NO, oslot).wait()

        o_buf[oslot] = (dotc(ht, w_buf[wslot])
                        + bfc_ref[:, pl.ds(i * _BN, _BN)])
        o_copy(i, oslot).start()

        @pl.when(i + _NWS < _NBF)
        def _():
            w_copy(i + _NWS, wslot).start()

        return 0

    lax.fori_loop(0, _NBF, fc_step, 0, unroll=False)

    for d in range(_NO):
        blk = _NBF - _NO + d
        pltpu.make_async_copy(
            o_buf.at[blk % _NO], out_hbm.at[:, pl.ds(blk * _BN, _BN)],
            osem.at[blk % _NO]).wait()
    to.wait()


def _mega(emb, W_ih0, W_hh0, bi0, bh0, W_ih1, W_hh1, bi1, bh1, b_fc2d, W_fc):
    return pl.pallas_call(
        _mega_body,
        in_specs=[pl.BlockSpec(memory_space=pltpu.VMEM)] * 9
        + [pl.BlockSpec(memory_space=pl.ANY),
           pl.BlockSpec(memory_space=pl.ANY)],
        out_specs=pl.BlockSpec(memory_space=pl.ANY),
        out_shape=jax.ShapeDtypeStruct((B, N_VOCAB), jnp.float32),
        scratch_shapes=[
            pltpu.VMEM((B, HID), jnp.float32),
            pltpu.VMEM((B, HID), jnp.float32),
            pltpu.VMEM((B, HID), jnp.float32),
            pltpu.VMEM((B, HID), jnp.float32),
            pltpu.VMEM((_NX, B, EMB), jnp.float32),
            pltpu.VMEM((_NWS, _BN, HID), jnp.float32),
            pltpu.VMEM((_TAIL, HID), jnp.float32),
            pltpu.VMEM((_NO, B, _BN), jnp.float32),
            pltpu.VMEM((B, _TAIL), jnp.float32),
            pltpu.SemaphoreType.DMA((_NX,)),
            pltpu.SemaphoreType.DMA((_NWS,)),
            pltpu.SemaphoreType.DMA((1,)),
            pltpu.SemaphoreType.DMA((_NO,)),
        ],
        compiler_params=pltpu.CompilerParams(
            vmem_limit_bytes=63 * 1024 * 1024),
    )(W_ih0, W_hh0, bi0, bh0, W_ih1, W_hh1, bi1, bh1, b_fc2d, emb, W_fc)


def kernel(seq_in, embeddings, W_ih0, W_hh0, b_ih0, b_hh0,
           W_ih1, W_hh1, b_ih1, b_hh1, W_fc, b_fc):
    idx = seq_in.T.reshape(-1).astype(jnp.int32)
    emb = _gather(idx, embeddings).reshape(L, B, EMB)
    return _mega(emb,
                 W_ih0, W_hh0, b_ih0.reshape(1, -1), b_hh0.reshape(1, -1),
                 W_ih1, W_hh1, b_ih1.reshape(1, -1), b_hh1.reshape(1, -1),
                 b_fc.reshape(1, -1), W_fc)

# --- scband reference (transcript-rebuilt; emitter-appended) ---
"""Pipeline reference for scband-simple-lstm-16449724744088 (READ-ONLY COPY).

The authoritative reference and input builder live on the scoring server;
editing this copy changes nothing except your own understanding.
"""

import jax, jax.numpy as jnp
import numpy as np

N_VOCAB = 100000
HID = 128
EMB = 64
B = 1024
L = 50


def setup_inputs(seed: int = 0) -> dict:
    key = jax.random.key(seed)
    ks = jax.random.split(key, 13)
    s = 1.0 / np.sqrt(HID)
    inp = {}
    inp["seq_in"] = jax.random.randint(ks[0], (B, L), 0, N_VOCAB)
    inp["embeddings"] = jax.random.normal(ks[1], (N_VOCAB, EMB), dtype=jnp.float32)
    # LSTM layer 0 (input EMB -> HID), PyTorch gate order i,f,g,o
    inp["W_ih0"] = jax.random.uniform(ks[2], (4 * HID, EMB), minval=-s, maxval=s, dtype=jnp.float32)
    inp["W_hh0"] = jax.random.uniform(ks[3], (4 * HID, HID), minval=-s, maxval=s, dtype=jnp.float32)
    inp["b_ih0"] = jax.random.uniform(ks[4], (4 * HID,), minval=-s, maxval=s, dtype=jnp.float32)
    inp["b_hh0"] = jax.random.uniform(ks[5], (4 * HID,), minval=-s, maxval=s, dtype=jnp.float32)
    # LSTM layer 1 (HID -> HID)
    inp["W_ih1"] = jax.random.uniform(ks[6], (4 * HID, HID), minval=-s, maxval=s, dtype=jnp.float32)
    inp["W_hh1"] = jax.random.uniform(ks[7], (4 * HID, HID), minval=-s, maxval=s, dtype=jnp.float32)
    inp["b_ih1"] = jax.random.uniform(ks[8], (4 * HID,), minval=-s, maxval=s, dtype=jnp.float32)
    inp["b_hh1"] = jax.random.uniform(ks[9], (4 * HID,), minval=-s, maxval=s, dtype=jnp.float32)
    # Final projection HID -> N_VOCAB
    inp["W_fc"] = jax.random.uniform(ks[10], (N_VOCAB, HID), minval=-s, maxval=s, dtype=jnp.float32)
    inp["b_fc"] = jax.random.uniform(ks[11], (N_VOCAB,), minval=-s, maxval=s, dtype=jnp.float32)
    return inp


def _lstm_layer(x_seq, W_ih, W_hh, b_ih, b_hh):
    # x_seq: [L, B, D_in]
    H = W_hh.shape[1]

    def step(carry, x_t):
        h, c = carry
        gates = x_t @ W_ih.T + h @ W_hh.T + b_ih + b_hh
        i, f, g, o = jnp.split(gates, 4, axis=-1)
        i = jax.nn.sigmoid(i)
        f = jax.nn.sigmoid(f)
        g = jnp.tanh(g)
        o = jax.nn.sigmoid(o)
        c = f * c + i * g
        h = o * jnp.tanh(c)
        return (h, c), h

    h0 = jnp.zeros((x_seq.shape[1], H), dtype=x_seq.dtype)
    c0 = jnp.zeros_like(h0)
    (_, _), hs = jax.lax.scan(step, (h0, c0), x_seq)
    return hs


def reference(seq_in, embeddings, W_ih0, W_hh0, b_ih0, b_hh0, W_ih1, W_hh1, b_ih1, b_hh1, W_fc, b_fc):
    # seq_in: [B, L]; embedded = embeddings(seq_in.t()) -> [L, B, EMB]
    embedded = jnp.take(embeddings, seq_in.T, axis=0)
    h1 = _lstm_layer(embedded, W_ih0, W_hh0, b_ih0, b_hh0)
    # dropout between layers is inactive in eval mode
    h2 = _lstm_layer(h1, W_ih1, W_hh1, b_ih1, b_hh1)
    ht = h2[-1]
    out = ht @ W_fc.T + b_fc
    return out

if __name__ == "__main__":
    import jax
    _d = setup_inputs()
    print(jax.jit(kernel)(*tuple(_d.values())))

</pallas_src>

<mosaic_0001>
#map = affine_map<(d0, d1) -> (0)>
#map1 = affine_map<(d0, d1) -> (0, 0)>
module attributes {stable_mosaic.version = 14 : i64} {
  func.func @gather(%arg0: i32, %arg1: i32, %arg2: memref<51200xi32, #tpu.memory_space<hbm>>, %arg3: memref<100000x64xf32, #tpu.memory_space<hbm>>, %arg4: memref<51200x64xf32, #tpu.memory_space<hbm>>, %arg5: memref<1600xi32, #tpu.memory_space<vmem>>, %arg6: memref<1600x64xf32, #tpu.memory_space<vmem>>, %arg7: memref<!tpu.dma_semaphore, #tpu.memory_space<semaphore_mem>>) attributes {dimension_semantics = [#tpu.dimension_semantics<core_parallel>, #tpu.dimension_semantics<subcore_parallel>], iteration_bounds = array<i64: 2, 16>, scalar_prefetch = 0 : i64, scratch_operands = 3 : i64, tpu.core_type = #tpu.core_type<sc_vector_subcore>, window_params = [{transform_indices = #map}, {transform_indices = #map1}, {transform_indices = #map1}]} {
    %mul3A = arith.constant 2 : i32
    %mul3A_0 = arith.muli %arg1, %mul3A : i32
    %add3A = arith.addi %mul3A_0, %arg0 : i32
    %mul3A_1 = arith.constant 1600 : i32
    %mul3A_2 = arith.muli %add3A, %mul3A_1 : i32
    "tpu.region"() ({
      %run_scoped3A = tpu.sem_alloc : memref<!tpu.dma_semaphore, #tpu.memory_space<semaphore_mem>>
      %dma_start3A_7 = tpu.memref_slice %arg2[%mul3A_2] : memref<51200xi32, #tpu.memory_space<hbm>> -> memref<1600xi32, #tpu.memory_space<hbm>>
      %dma_start3A_8 = tpu.memref_slice %arg2[%mul3A_2] : memref<51200xi32, #tpu.memory_space<hbm>> -> memref<1600xi32, #tpu.memory_space<hbm>>
      tpu.enqueue_dma source(%dma_start3A_8 : memref<1600xi32, #tpu.memory_space<hbm>>) target(%arg5 : memref<1600xi32, #tpu.memory_space<vmem>>) target_semaphore(%run_scoped3A : memref<!tpu.dma_semaphore, #tpu.memory_space<semaphore_mem>>)
      %dma_wait3A_9 = tpu.memref_slice %arg2[%mul3A_2] : memref<51200xi32, #tpu.memory_space<hbm>> -> memref<1600xi32, #tpu.memory_space<hbm>>
      %dma_wait3A_10 = tpu.memref_slice %arg2[%mul3A_2] : memref<51200xi32, #tpu.memory_space<hbm>> -> memref<1600xi32, #tpu.memory_space<hbm>>
      tpu.wait_dma2 semaphore(%run_scoped3A : memref<!tpu.dma_semaphore, #tpu.memory_space<semaphore_mem>>) src(%dma_wait3A_10 : memref<1600xi32, #tpu.memory_space<hbm>>) dst(%arg5 : memref<1600xi32, #tpu.memory_space<vmem>>)
      tpu.yield
    }) : () -> ()
    %dma_start3A = arith.constant 0 : i32
    %dma_start3A_3 = arith.constant 0 : i32
    %dma_start3A_4 = tpu.memref_slice %arg3[%dma_start3A, %dma_start3A_3] : memref<100000x64xf32, #tpu.memory_space<hbm>> -> memref<100000x64xf32, #tpu.memory_space<hbm>>
    tpu.enqueue_indirect_dma source(%dma_start3A_4 : memref<100000x64xf32, #tpu.memory_space<hbm>>) target(%arg6 : memref<1600x64xf32, #tpu.memory_space<vmem>>) offsets(%arg5 : memref<1600xi32, #tpu.memory_space<vmem>>) semaphore(%arg7 : memref<!tpu.dma_semaphore, #tpu.memory_space<semaphore_mem>>)
    %dma_wait3A = arith.constant 0 : i32
    %dma_wait3A_5 = arith.constant 0 : i32
    %dma_wait3A_6 = tpu.memref_slice %arg3[%dma_wait3A, %dma_wait3A_5] : memref<100000x64xf32, #tpu.memory_space<hbm>> -> memref<100000x64xf32, #tpu.memory_space<hbm>>
    tpu.wait_indirect_dma semaphore(%arg7 : memref<!tpu.dma_semaphore, #tpu.memory_space<semaphore_mem>>) src(%dma_wait3A_6 : memref<100000x64xf32, #tpu.memory_space<hbm>>) dst(%arg6 : memref<1600x64xf32, #tpu.memory_space<vmem>>)
    "tpu.region"() ({
      %run_scoped3A = tpu.sem_alloc : memref<!tpu.dma_semaphore, #tpu.memory_space<semaphore_mem>>
      %dma_start3A_7 = arith.constant 0 : i32
      %dma_start3A_8 = tpu.memref_slice %arg4[%mul3A_2, %dma_start3A_7] : memref<51200x64xf32, #tpu.memory_space<hbm>> -> memref<1600x64xf32, #tpu.memory_space<hbm>>
      %dma_start3A_9 = arith.constant 0 : i32
      %dma_start3A_10 = tpu.memref_slice %arg4[%mul3A_2, %dma_start3A_9] : memref<51200x64xf32, #tpu.memory_space<hbm>> -> memref<1600x64xf32, #tpu.memory_space<hbm>>
      tpu.enqueue_dma source(%arg6 : memref<1600x64xf32, #tpu.memory_space<vmem>>) target(%dma_start3A_10 : memref<1600x64xf32, #tpu.memory_space<hbm>>) target_semaphore(%run_scoped3A : memref<!tpu.dma_semaphore, #tpu.memory_space<semaphore_mem>>)
      %dma_wait3A_11 = arith.constant 0 : i32
      %dma_wait3A_12 = tpu.memref_slice %arg4[%mul3A_2, %dma_wait3A_11] : memref<51200x64xf32, #tpu.memory_space<hbm>> -> memref<1600x64xf32, #tpu.memory_space<hbm>>
      %dma_wait3A_13 = arith.constant 0 : i32
      %dma_wait3A_14 = tpu.memref_slice %arg4[%mul3A_2, %dma_wait3A_13] : memref<51200x64xf32, #tpu.memory_space<hbm>> -> memref<1600x64xf32, #tpu.memory_space<hbm>>
      tpu.wait_dma2 semaphore(%run_scoped3A : memref<!tpu.dma_semaphore, #tpu.memory_space<semaphore_mem>>) src(%arg6 : memref<1600x64xf32, #tpu.memory_space<vmem>>) dst(%dma_wait3A_14 : memref<1600x64xf32, #tpu.memory_space<hbm>>)
      tpu.yield
    }) : () -> ()
    return
  }
}

module attributes {stable_mosaic.version = 14 : i64} {
  func.func @_mega_body(%arg0: memref<512x64xf32, #tpu.memory_space<vmem>>, %arg1: memref<512x128xf32, #tpu.memory_space<vmem>>, %arg2: memref<1x512xf32, #tpu.memory_space<vmem>>, %arg3: memref<1x512xf32, #tpu.memory_space<vmem>>, %arg4: memref<512x128xf32, #tpu.memory_space<vmem>>, %arg5: memref<512x128xf32, #tpu.memory_space<vmem>>, %arg6: memref<1x512xf32, #tpu.memory_space<vmem>>, %arg7: memref<1x512xf32, #tpu.memory_space<vmem>>, %arg8: memref<1x100000xf32, #tpu.memory_space<vmem>>, %arg9: memref<50x1024x64xf32, #tpu.memory_space<any>>, %arg10: memref<100000x128xf32, #tpu.memory_space<any>>, %arg11: memref<1024x100000xf32, #tpu.memory_space<any>>, %arg12: memref<1024x128xf32, #tpu.memory_space<vmem>>, %arg13: memref<1024x128xf32, #tpu.memory_space<vmem>>, %arg14: memref<1024x128xf32, #tpu.memory_space<vmem>>, %arg15: memref<1024x128xf32, #tpu.memory_space<vmem>>, %arg16: memref<4x1024x64xf32, #tpu.memory_space<vmem>>, %arg17: memref<30x2048x128xf32, #tpu.memory_space<vmem>>, %arg18: memref<1696x128xf32, #tpu.memory_space<vmem>>, %arg19: memref<2x1024x2048xf32, #tpu.memory_space<vmem>>, %arg20: memref<1024x1696xf32, #tpu.memory_space<vmem>>, %arg21: memref<4x!tpu.dma_semaphore, #tpu.memory_space<semaphore_mem>>, %arg22: memref<30x!tpu.dma_semaphore, #tpu.memory_space<semaphore_mem>>, %arg23: memref<1x!tpu.dma_semaphore, #tpu.memory_space<semaphore_mem>>, %arg24: memref<2x!tpu.dma_semaphore, #tpu.memory_space<semaphore_mem>>) attributes {dimension_semantics = [], scalar_prefetch = 0 : i64, scratch_operands = 13 : i64, tpu.core_type = #tpu.core_type<tc>} {
    %dma_start3A = arith.constant 0 : i32
    %dma_start3A_0 = arith.constant 0 : i32
    %dma_start3A_1 = arith.constant 0 : i32
    %dma_start3A_2 = tpu.memref_slice %arg21[%dma_start3A_1] : memref<4x!tpu.dma_semaphore, #tpu.memory_space<semaphore_mem>> -> memref<1x!tpu.dma_semaphore, #tpu.memory_space<semaphore_mem>>
    %dma_start3A_3 = tpu.memref_squeeze %dma_start3A_2 : memref<1x!tpu.dma_semaphore, #tpu.memory_space<semaphore_mem>> -> memref<!tpu.dma_semaphore, #tpu.memory_space<semaphore_mem>>
    %dma_start3A_4 = arith.constant 0 : i32
    %dma_start3A_5 = arith.constant 0 : i32
    %dma_start3A_6 = tpu.memref_slice %arg16[%dma_start3A_0, %dma_start3A_4, %dma_start3A_5] : memref<4x1024x64xf32, #tpu.memory_space<vmem>> -> memref<1x1024x64xf32, #tpu.memory_space<vmem>>
    %dma_start3A_7 = tpu.memref_squeeze %dma_start3A_6 : memref<1x1024x64xf32, #tpu.memory_space<vmem>> -> memref<1024x64xf32, #tpu.memory_space<vmem>>
    %dma_start3A_8 = arith.constant 0 : i32
    %dma_start3A_9 = arith.constant 0 : i32
    %dma_start3A_10 = tpu.memref_slice %arg9[%dma_start3A, %dma_start3A_8, %dma_start3A_9] : memref<50x1024x64xf32, #tpu.memory_space<any>> -> memref<1x1024x64xf32, #tpu.memory_space<any>>
    %dma_start3A_11 = tpu.memref_squeeze %dma_start3A_10 : memref<1x1024x64xf32, #tpu.memory_space<any>> -> memref<1024x64xf32, #tpu.memory_space<any>>
    tpu.enqueue_dma source(%dma_start3A_11 : memref<1024x64xf32, #tpu.memory_space<any>>) target(%dma_start3A_7 : memref<1024x64xf32, #tpu.memory_space<vmem>>) target_semaphore(%dma_start3A_3 : memref<!tpu.dma_semaphore, #tpu.memory_space<semaphore_mem>>)
    %dma_start3A_12 = arith.constant 1 : i32
    %dma_start3A_13 = arith.constant 1 : i32
    %dma_start3A_14 = arith.constant 1 : i32
    %dma_start3A_15 = tpu.memref_slice %arg21[%dma_start3A_14] : memref<4x!tpu.dma_semaphore, #tpu.memory_space<semaphore_mem>> -> memref<1x!tpu.dma_semaphore, #tpu.memory_space<semaphore_mem>>
    %dma_start3A_16 = tpu.memref_squeeze %dma_start3A_15 : memref<1x!tpu.dma_semaphore, #tpu.memory_space<semaphore_mem>> -> memref<!tpu.dma_semaphore, #tpu.memory_space<semaphore_mem>>
    %dma_start3A_17 = arith.constant 0 : i32
    %dma_start3A_18 = arith.constant 0 : i32
    %dma_start3A_19 = tpu.memref_slice %arg16[%dma_start3A_13, %dma_start3A_17, %dma_start3A_18] : memref<4x1024x64xf32, #tpu.memory_space<vmem>> -> memref<1x1024x64xf32, #tpu.memory_space<vmem>>
    %dma_start3A_20 = tpu.memref_squeeze %dma_start3A_19 : memref<1x1024x64xf32, #tpu.memory_space<vmem>> -> memref<1024x64xf32, #tpu.memory_space<vmem>>
    %dma_start3A_21 = arith.constant 0 : i32
    %dma_start3A_22 = arith.constant 0 : i32
    %dma_start3A_23 = tpu.memref_slice %arg9[%dma_start3A_12, %dma_start3A_21, %dma_start3A_22] : memref<50x1024x64xf32, #tpu.memory_space<any>> -> memref<1x1024x64xf32, #tpu.memory_space<any>>
    %dma_start3A_24 = tpu.memref_squeeze %dma_start3A_23 : memref<1x1024x64xf32, #tpu.memory_space<any>> -> memref<1024x64xf32, #tpu.memory_space<any>>
    tpu.enqueue_dma source(%dma_start3A_24 : memref<1024x64xf32, #tpu.memory_space<any>>) target(%dma_start3A_20 : memref<1024x64xf32, #tpu.memory_space<vmem>>) target_semaphore(%dma_start3A_16 : memref<!tpu.dma_semaphore, #tpu.memory_space<semaphore_mem>>)
    %dma_start3A_25 = arith.constant 2 : i32
    %dma_start3A_26 = arith.constant 2 : i32
    %dma_start3A_27 = arith.constant 2 : i32
    %dma_start3A_28 = tpu.memref_slice %arg21[%dma_start3A_27] : memref<4x!tpu.dma_semaphore, #tpu.memory_space<semaphore_mem>> -> memref<1x!tpu.dma_semaphore, #tpu.memory_space<semaphore_mem>>
    %dma_start3A_29 = tpu.memref_squeeze %dma_start3A_28 : memref<1x!tpu.dma_semaphore, #tpu.memory_space<semaphore_mem>> -> memref<!tpu.dma_semaphore, #tpu.memory_space<semaphore_mem>>
    %dma_start3A_30 = arith.constant 0 : i32
    %dma_start3A_31 = arith.constant 0 : i32
    %dma_start3A_32 = tpu.memref_slice %arg16[%dma_start3A_26, %dma_start3A_30, %dma_start3A_31] : memref<4x1024x64xf32, #tpu.memory_space<vmem>> -> memref<1x1024x64xf32, #tpu.memory_space<vmem>>
    %dma_start3A_33 = tpu.memref_squeeze %dma_start3A_32 : memref<1x1024x64xf32, #tpu.memory_space<vmem>> -> memref<1024x64xf32, #tpu.memory_space<vmem>>
    %dma_start3A_34 = arith.constant 0 : i32
    %dma_start3A_35 = arith.constant 0 : i32
    %dma_start3A_36 = tpu.memref_slice %arg9[%dma_start3A_25, %dma_start3A_34, %dma_start3A_35] : memref<50x1024x64xf32, #tpu.memory_space<any>> -> memref<1x1024x64xf32, #tpu.memory_space<any>>
    %dma_start3A_37 = tpu.memref_squeeze %dma_start3A_36 : memref<1x1024x64xf32, #tpu.memory_space<any>> -> memref<1024x64xf32, #tpu.memory_space<any>>
    tpu.enqueue_dma source(%dma_start3A_37 : memref<1024x64xf32, #tpu.memory_space<any>>) target(%dma_start3A_33 : memref<1024x64xf32, #tpu.memory_space<vmem>>) target_semaphore(%dma_start3A_29 : memref<!tpu.dma_semaphore, #tpu.memory_space<semaphore_mem>>)
    %dma_start3A_38 = arith.constant 3 : i32
    %dma_start3A_39 = arith.constant 3 : i32
    %dma_start3A_40 = arith.constant 3 : i32
    %dma_start3A_41 = tpu.memref_slice %arg21[%dma_start3A_40] : memref<4x!tpu.dma_semaphore, #tpu.memory_space<semaphore_mem>> -> memref<1x!tpu.dma_semaphore, #tpu.memory_space<semaphore_mem>>
    %dma_start3A_42 = tpu.memref_squeeze %dma_start3A_41 : memref<1x!tpu.dma_semaphore, #tpu.memory_space<semaphore_mem>> -> memref<!tpu.dma_semaphore, #tpu.memory_space<semaphore_mem>>
    %dma_start3A_43 = arith.constant 0 : i32
    %dma_start3A_44 = arith.constant 0 : i32
    %dma_start3A_45 = tpu.memref_slice %arg16[%dma_start3A_39, %dma_start3A_43, %dma_start3A_44] : memref<4x1024x64xf32, #tpu.memory_space<vmem>> -> memref<1x1024x64xf32, #tpu.memory_space<vmem>>
    %dma_start3A_46 = tpu.memref_squeeze %dma_start3A_45 : memref<1x1024x64xf32, #tpu.memory_space<vmem>> -> memref<1024x64xf32, #tpu.memory_space<vmem>>
    %dma_start3A_47 = arith.constant 0 : i32
    %dma_start3A_48 = arith.constant 0 : i32
    %dma_start3A_49 = tpu.memref_slice %arg9[%dma_start3A_38, %dma_start3A_47, %dma_start3A_48] : memref<50x1024x64xf32, #tpu.memory_space<any>> -> memref<1x1024x64xf32, #tpu.memory_space<any>>
    %dma_start3A_50 = tpu.memref_squeeze %dma_start3A_49 : memref<1x1024x64xf32, #tpu.memory_space<any>> -> memref<1024x64xf32, #tpu.memory_space<any>>
    tpu.enqueue_dma source(%dma_start3A_50 : memref<1024x64xf32, #tpu.memory_space<any>>) target(%dma_start3A_46 : memref<1024x64xf32, #tpu.memory_space<vmem>>) target_semaphore(%dma_start3A_42 : memref<!tpu.dma_semaphore, #tpu.memory_space<semaphore_mem>>)
    %dma_start3A_51 = arith.constant 0 : i32
    %dma_start3A_52 = arith.constant 0 : i32
    %dma_start3A_53 = tpu.memref_slice %arg22[%dma_start3A_52] : memref<30x!tpu.dma_semaphore, #tpu.memory_space<semaphore_mem>> -> memref<1x!tpu.dma_semaphore, #tpu.memory_space<semaphore_mem>>
    %dma_start3A_54 = tpu.memref_squeeze %dma_start3A_53 : memref<1x!tpu.dma_semaphore, #tpu.memory_space<semaphore_mem>> -> memref<!tpu.dma_semaphore, #tpu.memory_space<semaphore_mem>>
    %dma_start3A_55 = arith.constant 0 : i32
    %dma_start3A_56 = arith.constant 0 : i32
    %dma_start3A_57 = tpu.memref_slice %arg17[%dma_start3A_51, %dma_start3A_55, %dma_start3A_56] : memref<30x2048x128xf32, #tpu.memory_space<vmem>> -> memref<1x2048x128xf32, #tpu.memory_space<vmem>>
    %dma_start3A_58 = tpu.memref_squeeze %dma_start3A_57 : memref<1x2048x128xf32, #tpu.memory_space<vmem>> -> memref<2048x128xf32, #tpu.memory_space<vmem>>
    %dma_start3A_59 = arith.constant 0 : i32
    %dma_start3A_60 = arith.constant 0 : i32
    %dma_start3A_61 = tpu.memref_slice %arg10[%dma_start3A_59, %dma_start3A_60] : memref<100000x128xf32, #tpu.memory_space<any>> -> memref<2048x128xf32, #tpu.memory_space<any>>
    tpu.enqueue_dma source(%dma_start3A_61 : memref<2048x128xf32, #tpu.memory_space<any>>) target(%dma_start3A_58 : memref<2048x128xf32, #tpu.memory_space<vmem>>) target_semaphore(%dma_start3A_54 : memref<!tpu.dma_semaphore, #tpu.memory_space<semaphore_mem>>)
    %dma_start3A_62 = arith.constant 1 : i32
    %dma_start3A_63 = arith.constant 1 : i32
    %dma_start3A_64 = tpu.memref_slice %arg22[%dma_start3A_63] : memref<30x!tpu.dma_semaphore, #tpu.memory_space<semaphore_mem>> -> memref<1x!tpu.dma_semaphore, #tpu.memory_space<semaphore_mem>>
    %dma_start3A_65 = tpu.memref_squeeze %dma_start3A_64 : memref<1x!tpu.dma_semaphore, #tpu.memory_space<semaphore_mem>> -> memref<!tpu.dma_semaphore, #tpu.memory_space<semaphore_mem>>
    %dma_start3A_66 = arith.constant 0 : i32
    %dma_start3A_67 = arith.constant 0 : i32
    %dma_start3A_68 = tpu.memref_slice %arg17[%dma_start3A_62, %dma_start3A_66, %dma_start3A_67] : memref<30x2048x128xf32, #tpu.memory_space<vmem>> -> memref<1x2048x128xf32, #tpu.memory_space<vmem>>
    %dma_start3A_69 = tpu.memref_squeeze %dma_start3A_68 : memref<1x2048x128xf32, #tpu.memory_space<vmem>> -> memref<2048x128xf32, #tpu.memory_space<vmem>>
    %dma_start3A_70 = arith.constant 2048 : i32
    %dma_start3A_71 = arith.constant 0 : i32
    %dma_start3A_72 = tpu.memref_slice %arg10[%dma_start3A_70, %dma_start3A_71] : memref<100000x128xf32, #tpu.memory_space<any>> -> memref<2048x128xf32, #tpu.memory_space<any>>
    tpu.enqueue_dma source(%dma_start3A_72 : memref<2048x128xf32, #tpu.memory_space<any>>) target(%dma_start3A_69 : memref<2048x128xf32, #tpu.memory_space<vmem>>) target_semaphore(%dma_start3A_65 : memref<!tpu.dma_semaphore, #tpu.memory_space<semaphore_mem>>)
    %dma_start3A_73 = arith.constant 0 : i32
    %dma_start3A_74 = tpu.memref_slice %arg23[%dma_start3A_73] : memref<1x!tpu.dma_semaphore, #tpu.memory_space<semaphore_mem>> -> memref<1x!tpu.dma_semaphore, #tpu.memory_space<semaphore_mem>>
    %dma_start3A_75 = tpu.memref_squeeze %dma_start3A_74 : memref<1x!tpu.dma_semaphore, #tpu.memory_space<semaphore_mem>> -> memref<!tpu.dma_semaphore, #tpu.memory_space<semaphore_mem>>
    %dma_start3A_76 = arith.constant 98304 : i32
    %dma_start3A_77 = arith.constant 0 : i32
    %dma_start3A_78 = tpu.memref_slice %arg10[%dma_start3A_76, %dma_start3A_77] : memref<100000x128xf32, #tpu.memory_space<any>> -> memref<1696x128xf32, #tpu.memory_space<any>>
    tpu.enqueue_dma source(%dma_start3A_78 : memref<1696x128xf32, #tpu.memory_space<any>>) target(%arg18 : memref<1696x128xf32, #tpu.memory_space<vmem>>) target_semaphore(%dma_start3A_75 : memref<!tpu.dma_semaphore, #tpu.memory_space<semaphore_mem>>)
    %broadcast_in_dim3A = arith.constant 0.000000e+00 : f32
    %broadcast_in_dim3A_79 = vector.broadcast %broadcast_in_dim3A : f32 to vector<1024x128xf32>
    %swap3A = arith.constant 0 : index
    %swap3A_80 = arith.constant 0 : index
    %swap3A_81 = vector.load %arg13[%swap3A, %swap3A_80] : memref<1024x128xf32, #tpu.memory_space<vmem>>, vector<1024x128xf32>
    tpu.vector_store %arg13[%swap3A, %swap3A_80], %broadcast_in_dim3A_79 {strides = array<i32>} : memref<1024x128xf32, #tpu.memory_space<vmem>>, vector<1024x128xf32>,
    %swap3A_82 = arith.constant 0 : index
    %swap3A_83 = arith.constant 0 : index
    %swap3A_84 = vector.load %arg14[%swap3A_82, %swap3A_83] : memref<1024x128xf32, #tpu.memory_space<vmem>>, vector<1024x128xf32>
    tpu.vector_store %arg14[%swap3A_82, %swap3A_83], %broadcast_in_dim3A_79 {strides = array<i32>} : memref<1024x128xf32, #tpu.memory_space<vmem>>, vector<1024x128xf32>,
    %swap3A_85 = arith.constant 0 : index
    %swap3A_86 = arith.constant 0 : index
    %swap3A_87 = vector.load %arg15[%swap3A_85, %swap3A_86] : memref<1024x128xf32, #tpu.memory_space<vmem>>, vector<1024x128xf32>
    tpu.vector_store %arg15[%swap3A_85, %swap3A_86], %broadcast_in_dim3A_79 {strides = array<i32>} : memref<1024x128xf32, #tpu.memory_space<vmem>>, vector<1024x128xf32>,
    %get3A = arith.constant 0 : index
    %get3A_88 = arith.constant 0 : index
    %get3A_89 = vector.load %arg2[%get3A, %get3A_88] : memref<1x512xf32, #tpu.memory_space<vmem>>, vector<1x512xf32>
    %get3A_90 = arith.constant 0 : index
    %get3A_91 = arith.constant 0 : index
    %get3A_92 = vector.load %arg3[%get3A_90, %get3A_91] : memref<1x512xf32, #tpu.memory_space<vmem>>, vector<1x512xf32>
    %add3A = arith.addf %get3A_89, %get3A_92 : vector<1x512xf32>
    %get3A_93 = arith.constant 0 : index
    %get3A_94 = arith.constant 0 : index
    %get3A_95 = vector.load %arg6[%get3A_93, %get3A_94] : memref<1x512xf32, #tpu.memory_space<vmem>>, vector<1x512xf32>
    %get3A_96 = arith.constant 0 : index
    %get3A_97 = arith.constant 0 : index
    %get3A_98 = vector.load %arg7[%get3A_96, %get3A_97] : memref<1x512xf32, #tpu.memory_space<vmem>>, vector<1x512xf32>
    %add3A_99 = arith.addf %get3A_95, %get3A_98 : vector<1x512xf32>
    %get3A_100 = arith.constant 0 : index
    %get3A_101 = arith.constant 0 : index
    %get3A_102 = vector.load %arg0[%get3A_100, %get3A_101] : memref<512x64xf32, #tpu.memory_space<vmem>>, vector<512x64xf32>
    %get3A_103 = arith.constant 0 : index
    %get3A_104 = arith.constant 0 : index
    %get3A_105 = vector.load %arg1[%get3A_103, %get3A_104] : memref<512x128xf32, #tpu.memory_space<vmem>>, vector<512x128xf32>
    %get3A_106 = arith.constant 0 : index
    %get3A_107 = arith.constant 0 : index
    %get3A_108 = vector.load %arg4[%get3A_106, %get3A_107] : memref<512x128xf32, #tpu.memory_space<vmem>>, vector<512x128xf32>
    %get3A_109 = arith.constant 0 : index
    %get3A_110 = arith.constant 0 : index
    %get3A_111 = vector.load %arg5[%get3A_109, %get3A_110] : memref<512x128xf32, #tpu.memory_space<vmem>>, vector<512x128xf32>
    %dma_wait3A = arith.constant 0 : i32
    %dma_wait3A_112 = arith.constant 0 : i32
    %dma_wait3A_113 = arith.constant 0 : i32
    %dma_wait3A_114 = tpu.memref_slice %arg21[%dma_wait3A_113] : memref<4x!tpu.dma_semaphore, #tpu.memory_space<semaphore_mem>> -> memref<1x!tpu.dma_semaphore, #tpu.memory_space<semaphore_mem>>
    %dma_wait3A_115 = tpu.memref_squeeze %dma_wait3A_114 : memref<1x!tpu.dma_semaphore, #tpu.memory_space<semaphore_mem>> -> memref<!tpu.dma_semaphore, #tpu.memory_space<semaphore_mem>>
    %dma_wait3A_116 = arith.constant 0 : i32
    %dma_wait3A_117 = arith.constant 0 : i32
    %dma_wait3A_118 = tpu.memref_slice %arg16[%dma_wait3A_112, %dma_wait3A_116, %dma_wait3A_117] : memref<4x1024x64xf32, #tpu.memory_space<vmem>> -> memref<1x1024x64xf32, #tpu.memory_space<vmem>>
    %dma_wait3A_119 = tpu.memref_squeeze %dma_wait3A_118 : memref<1x1024x64xf32, #tpu.memory_space<vmem>> -> memref<1024x64xf32, #tpu.memory_space<vmem>>
    %dma_wait3A_120 = arith.constant 0 : i32
    %dma_wait3A_121 = arith.constant 0 : i32
    %dma_wait3A_122 = tpu.memref_slice %arg9[%dma_wait3A, %dma_wait3A_120, %dma_wait3A_121] : memref<50x1024x64xf32, #tpu.memory_space<any>> -> memref<1x1024x64xf32, #tpu.memory_space<any>>
    %dma_wait3A_123 = tpu.memref_squeeze %dma_wait3A_122 : memref<1x1024x64xf32, #tpu.memory_space<any>> -> memref<1024x64xf32, #tpu.memory_space<any>>
    tpu.wait_dma2 semaphore(%dma_wait3A_115 : memref<!tpu.dma_semaphore, #tpu.memory_space<semaphore_mem>>) src(%dma_wait3A_123 : memref<1024x64xf32, #tpu.memory_space<any>>) dst(%dma_wait3A_119 : memref<1024x64xf32, #tpu.memory_space<vmem>>)
    %get3A_124 = arith.constant 0 : index
    %get3A_125 = arith.constant 0 : index
    %get3A_126 = arith.constant 0 : index
    %get3A_127 = vector.load %arg16[%get3A_124, %get3A_125, %get3A_126] : memref<4x1024x64xf32, #tpu.memory_space<vmem>>, vector<1x1024x64xf32>
    %get3A_128 = vector.shape_cast %get3A_127 : vector<1x1024x64xf32> to vector<1024x64xf32>
    %dot_general3A = arith.constant dense<0.000000e+00> : vector<1024x512xf32>
    %dot_general3A_129 = tpu.matmul %get3A_128, %get3A_102, %dot_general3A {dimension_numbers = #tpu.dot_dimension_numbers<[1], [1], [0], [0], [0, 0, 1, 0], [], []>, transpose_lhs_hint = false} : vector<1024x64xf32>, vector<512x64xf32>, vector<1024x512xf32> -> vector<1024x512xf32>
    %add3A_130 = vector.broadcast %add3A : vector<1x512xf32> to vector<1024x512xf32>
    %add3A_131 = arith.addf %dot_general3A_129, %add3A_130 : vector<1024x512xf32>
    %slice3A = vector.extract_strided_slice %add3A_131 {offsets = [0, 0], sizes = [1024, 128], strides = [1, 1]} : vector<1024x512xf32> to vector<1024x128xf32>
    %logistic3A = arith.negf %slice3A : vector<1024x128xf32>
    %logistic3A_132 = math.exp %logistic3A : vector<1024x128xf32>
    %logistic3A_133 = arith.constant 1.000000e+00 : f32
    %logistic3A_134 = vector.broadcast %logistic3A_133 : f32 to vector<1024x128xf32>
    %logistic3A_135 = arith.addf %logistic3A_134, %logistic3A_132 : vector<1024x128xf32>
    %logistic3A_136 = arith.divf %logistic3A_134, %logistic3A_135 : vector<1024x128xf32>
    %slice3A_137 = vector.extract_strided_slice %add3A_131 {offsets = [0, 256], sizes = [1024, 128], strides = [1, 1]} : vector<1024x512xf32> to vector<1024x128xf32>
    %tanh3A = math.tanh %slice3A_137 : vector<1024x128xf32>
    %slice3A_138 = vector.extract_strided_slice %add3A_131 {offsets = [0, 384], sizes = [1024, 128], strides = [1, 1]} : vector<1024x512xf32> to vector<1024x128xf32>
    %logistic3A_139 = arith.negf %slice3A_138 : vector<1024x128xf32>
    %logistic3A_140 = math.exp %logistic3A_139 : vector<1024x128xf32>
    %logistic3A_141 = arith.constant 1.000000e+00 : f32
    %logistic3A_142 = vector.broadcast %logistic3A_141 : f32 to vector<1024x128xf32>
    %logistic3A_143 = arith.addf %logistic3A_142, %logistic3A_140 : vector<1024x128xf32>
    %logistic3A_144 = arith.divf %logistic3A_142, %logistic3A_143 : vector<1024x128xf32>
    %mul3A = arith.mulf %logistic3A_136, %tanh3A : vector<1024x128xf32>
    %swap3A_145 = arith.constant 0 : index
    %swap3A_146 = arith.constant 0 : index
    %swap3A_147 = vector.load %arg13[%swap3A_145, %swap3A_146] : memref<1024x128xf32, #tpu.memory_space<vmem>>, vector<1024x128xf32>
    tpu.vector_store %arg13[%swap3A_145, %swap3A_146], %mul3A {strides = array<i32>} : memref<1024x128xf32, #tpu.memory_space<vmem>>, vector<1024x128xf32>,
    %tanh3A_148 = math.tanh %mul3A : vector<1024x128xf32>
    %mul3A_149 = arith.mulf %logistic3A_144, %tanh3A_148 : vector<1024x128xf32>
    %swap3A_150 = arith.constant 0 : index
    %swap3A_151 = arith.constant 0 : index
    %swap3A_152 = vector.load %arg12[%swap3A_150, %swap3A_151] : memref<1024x128xf32, #tpu.memory_space<vmem>>, vector<1024x128xf32>
    tpu.vector_store %arg12[%swap3A_150, %swap3A_151], %mul3A_149 {strides = array<i32>} : memref<1024x128xf32, #tpu.memory_space<vmem>>, vector<1024x128xf32>,
    %scan3A = arith.constant 1 : i32
    %scan3A_153 = arith.constant 49 : i32
    %scan3A_154 = arith.addi %scan3A, %scan3A_153 : i32
    %scan3A_155 = arith.constant 1 : i32
    scf.for %scan3A_259 = %scan3A to %scan3A_154 step %scan3A_155  : i32 {
      %get3A_260 = arith.constant 0 : index
      %get3A_261 = arith.constant 0 : index
      %get3A_262 = vector.load %arg12[%get3A_260, %get3A_261] : memref<1024x128xf32, #tpu.memory_space<vmem>>, vector<1024x128xf32>
      %rem3A = arith.constant 4 : i32
      %rem3A_263 = arith.remsi %scan3A_259, %rem3A : i32
      %dma_wait3A_264 = tpu.memref_slice %arg21[%rem3A_263] : memref<4x!tpu.dma_semaphore, #tpu.memory_space<semaphore_mem>> -> memref<1x!tpu.dma_semaphore, #tpu.memory_space<semaphore_mem>>
      %dma_wait3A_265 = tpu.memref_squeeze %dma_wait3A_264 : memref<1x!tpu.dma_semaphore, #tpu.memory_space<semaphore_mem>> -> memref<!tpu.dma_semaphore, #tpu.memory_space<semaphore_mem>>
      %dma_wait3A_266 = arith.constant 0 : i32
      %dma_wait3A_267 = arith.constant 0 : i32
      %dma_wait3A_268 = tpu.memref_slice %arg16[%rem3A_263, %dma_wait3A_266, %dma_wait3A_267] : memref<4x1024x64xf32, #tpu.memory_space<vmem>> -> memref<1x1024x64xf32, #tpu.memory_space<vmem>>
      %dma_wait3A_269 = tpu.memref_squeeze %dma_wait3A_268 : memref<1x1024x64xf32, #tpu.memory_space<vmem>> -> memref<1024x64xf32, #tpu.memory_space<vmem>>
      %dma_wait3A_270 = arith.constant 0 : i32
      %dma_wait3A_271 = arith.constant 0 : i32
      %dma_wait3A_272 = tpu.memref_slice %arg9[%scan3A_259, %dma_wait3A_270, %dma_wait3A_271] : memref<50x1024x64xf32, #tpu.memory_space<any>> -> memref<1x1024x64xf32, #tpu.memory_space<any>>
      %dma_wait3A_273 = tpu.memref_squeeze %dma_wait3A_272 : memref<1x1024x64xf32, #tpu.memory_space<any>> -> memref<1024x64xf32, #tpu.memory_space<any>>
      tpu.wait_dma2 semaphore(%dma_wait3A_265 : memref<!tpu.dma_semaphore, #tpu.memory_space<semaphore_mem>>) src(%dma_wait3A_273 : memref<1024x64xf32, #tpu.memory_space<any>>) dst(%dma_wait3A_269 : memref<1024x64xf32, #tpu.memory_space<vmem>>)
      %get3A_274 = arith.index_cast %rem3A_263 : i32 to index
      %get3A_275 = arith.constant 0 : index
      %get3A_276 = arith.constant 0 : index
      %get3A_277 = vector.load %arg16[%get3A_274, %get3A_275, %get3A_276] : memref<4x1024x64xf32, #tpu.memory_space<vmem>>, vector<1x1024x64xf32>
      %get3A_278 = vector.shape_cast %get3A_277 : vector<1x1024x64xf32> to vector<1024x64xf32>
      %add3A_279 = arith.constant 4 : i32
      %add3A_280 = arith.addi %scan3A_259, %add3A_279 : i32
      %sub3A = arith.constant 1 : i32
      %sub3A_281 = arith.subi %add3A_280, %sub3A : i32
      %lt3A = arith.constant 50 : i32
      %lt3A_282 = arith.cmpi slt, %sub3A_281, %lt3A : i32
      %convert_element_type3A = arith.extui %lt3A_282 : i1 to i32
      %cond3A = arith.constant 0 : i32
      %cond3A_283 = arith.cmpi ne, %convert_element_type3A, %cond3A : i32
      scf.if %cond3A_283 {
        %add3A_379 = arith.constant 4 : i32
        %add3A_380 = arith.addi %scan3A_259, %add3A_379 : i32
        %sub3A_381 = arith.constant 1 : i32
        %sub3A_382 = arith.subi %add3A_380, %sub3A_381 : i32
        %add3A_383 = arith.constant 4 : i32
        %add3A_384 = arith.addi %scan3A_259, %add3A_383 : i32
        %sub3A_385 = arith.constant 1 : i32
        %sub3A_386 = arith.subi %add3A_384, %sub3A_385 : i32
        %rem3A_387 = arith.constant 4 : i32
        %rem3A_388 = arith.remsi %sub3A_386, %rem3A_387 : i32
        %dma_start3A_389 = tpu.memref_slice %arg21[%rem3A_388] : memref<4x!tpu.dma_semaphore, #tpu.memory_space<semaphore_mem>> -> memref<1x!tpu.dma_semaphore, #tpu.memory_space<semaphore_mem>>
        %dma_start3A_390 = tpu.memref_squeeze %dma_start3A_389 : memref<1x!tpu.dma_semaphore, #tpu.memory_space<semaphore_mem>> -> memref<!tpu.dma_semaphore, #tpu.memory_space<semaphore_mem>>
        %dma_start3A_391 = arith.constant 0 : i32
        %dma_start3A_392 = arith.constant 0 : i32
        %dma_start3A_393 = tpu.memref_slice %arg16[%rem3A_388, %dma_start3A_391, %dma_start3A_392] : memref<4x1024x64xf32, #tpu.memory_space<vmem>> -> memref<1x1024x64xf32, #tpu.memory_space<vmem>>
        %dma_start3A_394 = tpu.memref_squeeze %dma_start3A_393 : memref<1x1024x64xf32, #tpu.memory_space<vmem>> -> memref<1024x64xf32, #tpu.memory_space<vmem>>
        %dma_start3A_395 = arith.constant 0 : i32
        %dma_start3A_396 = arith.constant 0 : i32
        %dma_start3A_397 = tpu.memref_slice %arg9[%sub3A_382, %dma_start3A_395, %dma_start3A_396] : memref<50x1024x64xf32, #tpu.memory_space<any>> -> memref<1x1024x64xf32, #tpu.memory_space<any>>
        %dma_start3A_398 = tpu.memref_squeeze %dma_start3A_397 : memref<1x1024x64xf32, #tpu.memory_space<any>> -> memref<1024x64xf32, #tpu.memory_space<any>>
        tpu.enqueue_dma source(%dma_start3A_398 : memref<1024x64xf32, #tpu.memory_space<any>>) target(%dma_start3A_394 : memref<1024x64xf32, #tpu.memory_space<vmem>>) target_semaphore(%dma_start3A_390 : memref<!tpu.dma_semaphore, #tpu.memory_space<semaphore_mem>>)
      } else {
      }
      %le3A = arith.constant 14 : i32
      %le3A_284 = arith.cmpi sle, %scan3A_259, %le3A : i32
      %convert_element_type3A_285 = arith.extui %le3A_284 : i1 to i32
      %cond3A_286 = arith.constant 0 : i32
      %cond3A_287 = arith.cmpi ne, %convert_element_type3A_285, %cond3A_286 : i32
      scf.if %cond3A_287 {
        %mul3A_379 = arith.constant 2 : i32
        %mul3A_380 = arith.muli %mul3A_379, %scan3A_259 : i32
        %mul3A_381 = arith.constant 2 : i32
        %mul3A_382 = arith.muli %mul3A_381, %scan3A_259 : i32
        %mul3A_383 = arith.constant 2048 : i32
        %mul3A_384 = arith.muli %mul3A_380, %mul3A_383 : i32
        %dma_start3A_385 = tpu.memref_slice %arg22[%mul3A_382] : memref<30x!tpu.dma_semaphore, #tpu.memory_space<semaphore_mem>> -> memref<1x!tpu.dma_semaphore, #tpu.memory_space<semaphore_mem>>
        %dma_start3A_386 = tpu.memref_squeeze %dma_start3A_385 : memref<1x!tpu.dma_semaphore, #tpu.memory_space<semaphore_mem>> -> memref<!tpu.dma_semaphore, #tpu.memory_space<semaphore_mem>>
        %dma_start3A_387 = arith.constant 0 : i32
        %dma_start3A_388 = arith.constant 0 : i32
        %dma_start3A_389 = tpu.memref_slice %arg17[%mul3A_382, %dma_start3A_387, %dma_start3A_388] : memref<30x2048x128xf32, #tpu.memory_space<vmem>> -> memref<1x2048x128xf32, #tpu.memory_space<vmem>>
        %dma_start3A_390 = tpu.memref_squeeze %dma_start3A_389 : memref<1x2048x128xf32, #tpu.memory_space<vmem>> -> memref<2048x128xf32, #tpu.memory_space<vmem>>
        %dma_start3A_391 = arith.constant 0 : i32
        %dma_start3A_392 = tpu.memref_slice %arg10[%mul3A_384, %dma_start3A_391] : memref<100000x128xf32, #tpu.memory_space<any>> -> memref<2048x128xf32, #tpu.memory_space<any>>
        tpu.enqueue_dma source(%dma_start3A_392 : memref<2048x128xf32, #tpu.memory_space<any>>) target(%dma_start3A_390 : memref<2048x128xf32, #tpu.memory_space<vmem>>) target_semaphore(%dma_start3A_386 : memref<!tpu.dma_semaphore, #tpu.memory_space<semaphore_mem>>)
        %mul3A_393 = arith.constant 2 : i32
        %mul3A_394 = arith.muli %mul3A_393, %scan3A_259 : i32
        %add3A_395 = arith.constant 1 : i32
        %add3A_396 = arith.addi %mul3A_394, %add3A_395 : i32
        %mul3A_397 = arith.constant 2 : i32
        %mul3A_398 = arith.muli %mul3A_397, %scan3A_259 : i32
        %add3A_399 = arith.constant 1 : i32
        %add3A_400 = arith.addi %mul3A_398, %add3A_399 : i32
        %mul3A_401 = arith.constant 2048 : i32
        %mul3A_402 = arith.muli %add3A_396, %mul3A_401 : i32
        %dma_start3A_403 = tpu.memref_slice %arg22[%add3A_400] : memref<30x!tpu.dma_semaphore, #tpu.memory_space<semaphore_mem>> -> memref<1x!tpu.dma_semaphore, #tpu.memory_space<semaphore_mem>>
        %dma_start3A_404 = tpu.memref_squeeze %dma_start3A_403 : memref<1x!tpu.dma_semaphore, #tpu.memory_space<semaphore_mem>> -> memref<!tpu.dma_semaphore, #tpu.memory_space<semaphore_mem>>
        %dma_start3A_405 = arith.constant 0 : i32
        %dma_start3A_406 = arith.constant 0 : i32
        %dma_start3A_407 = tpu.memref_slice %arg17[%add3A_400, %dma_start3A_405, %dma_start3A_406] : memref<30x2048x128xf32, #tpu.memory_space<vmem>> -> memref<1x2048x128xf32, #tpu.memory_space<vmem>>
        %dma_start3A_408 = tpu.memref_squeeze %dma_start3A_407 : memref<1x2048x128xf32, #tpu.memory_space<vmem>> -> memref<2048x128xf32, #tpu.memory_space<vmem>>
        %dma_start3A_409 = arith.constant 0 : i32
        %dma_start3A_410 = tpu.memref_slice %arg10[%mul3A_402, %dma_start3A_409] : memref<100000x128xf32, #tpu.memory_space<any>> -> memref<2048x128xf32, #tpu.memory_space<any>>
        tpu.enqueue_dma source(%dma_start3A_410 : memref<2048x128xf32, #tpu.memory_space<any>>) target(%dma_start3A_408 : memref<2048x128xf32, #tpu.memory_space<vmem>>) target_semaphore(%dma_start3A_404 : memref<!tpu.dma_semaphore, #tpu.memory_space<semaphore_mem>>)
      } else {
      }
      %dot_general3A_288 = arith.constant dense<0.000000e+00> : vector<1024x512xf32>
      %dot_general3A_289 = tpu.matmul %get3A_278, %get3A_102, %dot_general3A_288 {dimension_numbers = #tpu.dot_dimension_numbers<[1], [1], [0], [0], [0, 0, 1, 0], [], []>, transpose_lhs_hint = false} : vector<1024x64xf32>, vector<512x64xf32>, vector<1024x512xf32> -> vector<1024x512xf32>
      %dot_general3A_290 = arith.constant dense<0.000000e+00> : vector<1024x512xf32>
      %dot_general3A_291 = tpu.matmul %get3A_262, %get3A_105, %dot_general3A_290 {dimension_numbers = #tpu.dot_dimension_numbers<[1], [1], [0], [0], [0, 0, 1, 0], [], []>, transpose_lhs_hint = false} : vector<1024x128xf32>, vector<512x128xf32>, vector<1024x512xf32> -> vector<1024x512xf32>
      %add3A_292 = arith.addf %dot_general3A_289, %dot_general3A_291 : vector<1024x512xf32>
      %dot_general3A_293 = arith.constant dense<0.000000e+00> : vector<1024x512xf32>
      %dot_general3A_294 = tpu.matmul %get3A_262, %get3A_108, %dot_general3A_293 {dimension_numbers = #tpu.dot_dimension_numbers<[1], [1], [0], [0], [0, 0, 1, 0], [], []>, transpose_lhs_hint = false} : vector<1024x128xf32>, vector<512x128xf32>, vector<1024x512xf32> -> vector<1024x512xf32>
      %get3A_295 = arith.constant 0 : index
      %get3A_296 = arith.constant 0 : index
      %get3A_297 = vector.load %arg14[%get3A_295, %get3A_296] : memref<1024x128xf32, #tpu.memory_space<vmem>>, vector<1024x128xf32>
      %dot_general3A_298 = arith.constant dense<0.000000e+00> : vector<1024x512xf32>
      %dot_general3A_299 = tpu.matmul %get3A_297, %get3A_111, %dot_general3A_298 {dimension_numbers = #tpu.dot_dimension_numbers<[1], [1], [0], [0], [0, 0, 1, 0], [], []>, transpose_lhs_hint = false} : vector<1024x128xf32>, vector<512x128xf32>, vector<1024x512xf32> -> vector<1024x512xf32>
      %add3A_300 = arith.addf %dot_general3A_294, %dot_general3A_299 : vector<1024x512xf32>
      %add3A_301 = vector.broadcast %add3A : vector<1x512xf32> to vector<1024x512xf32>
      %add3A_302 = arith.addf %add3A_292, %add3A_301 : vector<1024x512xf32>
      %slice3A_303 = vector.extract_strided_slice %add3A_302 {offsets = [0, 0], sizes = [1024, 128], strides = [1, 1]} : vector<1024x512xf32> to vector<1024x128xf32>
      %logistic3A_304 = arith.negf %slice3A_303 : vector<1024x128xf32>
      %logistic3A_305 = math.exp %logistic3A_304 : vector<1024x128xf32>
      %logistic3A_306 = arith.constant 1.000000e+00 : f32
      %logistic3A_307 = vector.broadcast %logistic3A_306 : f32 to vector<1024x128xf32>
      %logistic3A_308 = arith.addf %logistic3A_307, %logistic3A_305 : vector<1024x128xf32>
      %logistic3A_309 = arith.divf %logistic3A_307, %logistic3A_308 : vector<1024x128xf32>
      %slice3A_310 = vector.extract_strided_slice %add3A_302 {offsets = [0, 128], sizes = [1024, 128], strides = [1, 1]} : vector<1024x512xf32> to vector<1024x128xf32>
      %logistic3A_311 = arith.negf %slice3A_310 : vector<1024x128xf32>
      %logistic3A_312 = math.exp %logistic3A_311 : vector<1024x128xf32>
      %logistic3A_313 = arith.constant 1.000000e+00 : f32
      %logistic3A_314 = vector.broadcast %logistic3A_313 : f32 to vector<1024x128xf32>
      %logistic3A_315 = arith.addf %logistic3A_314, %logistic3A_312 : vector<1024x128xf32>
      %logistic3A_316 = arith.divf %logistic3A_314, %logistic3A_315 : vector<1024x128xf32>
      %slice3A_317 = vector.extract_strided_slice %add3A_302 {offsets = [0, 256], sizes = [1024, 128], strides = [1, 1]} : vector<1024x512xf32> to vector<1024x128xf32>
      %tanh3A_318 = math.tanh %slice3A_317 : vector<1024x128xf32>
      %slice3A_319 = vector.extract_strided_slice %add3A_302 {offsets = [0, 384], sizes = [1024, 128], strides = [1, 1]} : vector<1024x512xf32> to vector<1024x128xf32>
      %logistic3A_320 = arith.negf %slice3A_319 : vector<1024x128xf32>
      %logistic3A_321 = math.exp %logistic3A_320 : vector<1024x128xf32>
      %logistic3A_322 = arith.constant 1.000000e+00 : f32
      %logistic3A_323 = vector.broadcast %logistic3A_322 : f32 to vector<1024x128xf32>
      %logistic3A_324 = arith.addf %logistic3A_323, %logistic3A_321 : vector<1024x128xf32>
      %logistic3A_325 = arith.divf %logistic3A_323, %logistic3A_324 : vector<1024x128xf32>
      %get3A_326 = arith.constant 0 : index
      %get3A_327 = arith.constant 0 : index
      %get3A_328 = vector.load %arg13[%get3A_326, %get3A_327] : memref<1024x128xf32, #tpu.memory_space<vmem>>, vector<1024x128xf32>
      %mul3A_329 = arith.mulf %logistic3A_316, %get3A_328 : vector<1024x128xf32>
      %mul3A_330 = arith.mulf %logistic3A_309, %tanh3A_318 : vector<1024x128xf32>
      %add3A_331 = arith.addf %mul3A_329, %mul3A_330 : vector<1024x128xf32>
      %swap3A_332 = arith.constant 0 : index
      %swap3A_333 = arith.constant 0 : index
      %swap3A_334 = vector.load %arg13[%swap3A_332, %swap3A_333] : memref<1024x128xf32, #tpu.memory_space<vmem>>, vector<1024x128xf32>
      tpu.vector_store %arg13[%swap3A_332, %swap3A_333], %add3A_331 {strides = array<i32>} : memref<1024x128xf32, #tpu.memory_space<vmem>>, vector<1024x128xf32>,
      %tanh3A_335 = math.tanh %add3A_331 : vector<1024x128xf32>
      %mul3A_336 = arith.mulf %logistic3A_325, %tanh3A_335 : vector<1024x128xf32>
      %swap3A_337 = arith.constant 0 : index
      %swap3A_338 = arith.constant 0 : index
      %swap3A_339 = vector.load %arg12[%swap3A_337, %swap3A_338] : memref<1024x128xf32, #tpu.memory_space<vmem>>, vector<1024x128xf32>
      tpu.vector_store %arg12[%swap3A_337, %swap3A_338], %mul3A_336 {strides = array<i32>} : memref<1024x128xf32, #tpu.memory_space<vmem>>, vector<1024x128xf32>,
      %add3A_340 = vector.broadcast %add3A_99 : vector<1x512xf32> to vector<1024x512xf32>
      %add3A_341 = arith.addf %add3A_300, %add3A_340 : vector<1024x512xf32>
      %slice3A_342 = vector.extract_strided_slice %add3A_341 {offsets = [0, 0], sizes = [1024, 128], strides = [1, 1]} : vector<1024x512xf32> to vector<1024x128xf32>
      %logistic3A_343 = arith.negf %slice3A_342 : vector<1024x128xf32>
      %logistic3A_344 = math.exp %logistic3A_343 : vector<1024x128xf32>
      %logistic3A_345 = arith.constant 1.000000e+00 : f32
      %logistic3A_346 = vector.broadcast %logistic3A_345 : f32 to vector<1024x128xf32>
      %logistic3A_347 = arith.addf %logistic3A_346, %logistic3A_344 : vector<1024x128xf32>
      %logistic3A_348 = arith.divf %logistic3A_346, %logistic3A_347 : vector<1024x128xf32>
      %slice3A_349 = vector.extract_strided_slice %add3A_341 {offsets = [0, 128], sizes = [1024, 128], strides = [1, 1]} : vector<1024x512xf32> to vector<1024x128xf32>
      %logistic3A_350 = arith.negf %slice3A_349 : vector<1024x128xf32>
      %logistic3A_351 = math.exp %logistic3A_350 : vector<1024x128xf32>
      %logistic3A_352 = arith.constant 1.000000e+00 : f32
      %logistic3A_353 = vector.broadcast %logistic3A_352 : f32 to vector<1024x128xf32>
      %logistic3A_354 = arith.addf %logistic3A_353, %logistic3A_351 : vector<1024x128xf32>
      %logistic3A_355 = arith.divf %logistic3A_353, %logistic3A_354 : vector<1024x128xf32>
      %slice3A_356 = vector.extract_strided_slice %add3A_341 {offsets = [0, 256], sizes = [1024, 128], strides = [1, 1]} : vector<1024x512xf32> to vector<1024x128xf32>
      %tanh3A_357 = math.tanh %slice3A_356 : vector<1024x128xf32>
      %slice3A_358 = vector.extract_strided_slice %add3A_341 {offsets = [0, 384], sizes = [1024, 128], strides = [1, 1]} : vector<1024x512xf32> to vector<1024x128xf32>
      %logistic3A_359 = arith.negf %slice3A_358 : vector<1024x128xf32>
      %logistic3A_360 = math.exp %logistic3A_359 : vector<1024x128xf32>
      %logistic3A_361 = arith.constant 1.000000e+00 : f32
      %logistic3A_362 = vector.broadcast %logistic3A_361 : f32 to vector<1024x128xf32>
      %logistic3A_363 = arith.addf %logistic3A_362, %logistic3A_360 : vector<1024x128xf32>
      %logistic3A_364 = arith.divf %logistic3A_362, %logistic3A_363 : vector<1024x128xf32>
      %get3A_365 = arith.constant 0 : index
      %get3A_366 = arith.constant 0 : index
      %get3A_367 = vector.load %arg15[%get3A_365, %get3A_366] : memref<1024x128xf32, #tpu.memory_space<vmem>>, vector<1024x128xf32>
      %mul3A_368 = arith.mulf %logistic3A_355, %get3A_367 : vector<1024x128xf32>
      %mul3A_369 = arith.mulf %logistic3A_348, %tanh3A_357 : vector<1024x128xf32>
      %add3A_370 = arith.addf %mul3A_368, %mul3A_369 : vector<1024x128xf32>
      %swap3A_371 = arith.constant 0 : index
      %swap3A_372 = arith.constant 0 : index
      %swap3A_373 = vector.load %arg15[%swap3A_371, %swap3A_372] : memref<1024x128xf32, #tpu.memory_space<vmem>>, vector<1024x128xf32>
      tpu.vector_store %arg15[%swap3A_371, %swap3A_372], %add3A_370 {strides = array<i32>} : memref<1024x128xf32, #tpu.memory_space<vmem>>, vector<1024x128xf32>,
      %tanh3A_374 = math.tanh %add3A_370 : vector<1024x128xf32>
      %mul3A_375 = arith.mulf %logistic3A_364, %tanh3A_374 : vector<1024x128xf32>
      %swap3A_376 = arith.constant 0 : index
      %swap3A_377 = arith.constant 0 : index
      %swap3A_378 = vector.load %arg14[%swap3A_376, %swap3A_377] : memref<1024x128xf32, #tpu.memory_space<vmem>>, vector<1024x128xf32>
      tpu.vector_store %arg14[%swap3A_376, %swap3A_377], %mul3A_375 {strides = array<i32>} : memref<1024x128xf32, #tpu.memory_space<vmem>>, vector<1024x128xf32>,
    }
    %scan3A_156 = arith.constant 49 : i32
    %get3A_157 = arith.constant 0 : index
    %get3A_158 = arith.constant 0 : index
    %get3A_159 = vector.load %arg12[%get3A_157, %get3A_158] : memref<1024x128xf32, #tpu.memory_space<vmem>>, vector<1024x128xf32>
    %dot_general3A_160 = arith.constant dense<0.000000e+00> : vector<1024x512xf32>
    %dot_general3A_161 = tpu.matmul %get3A_159, %get3A_108, %dot_general3A_160 {dimension_numbers = #tpu.dot_dimension_numbers<[1], [1], [0], [0], [0, 0, 1, 0], [], []>, transpose_lhs_hint = false} : vector<1024x128xf32>, vector<512x128xf32>, vector<1024x512xf32> -> vector<1024x512xf32>
    %get3A_162 = arith.constant 0 : index
    %get3A_163 = arith.constant 0 : index
    %get3A_164 = vector.load %arg14[%get3A_162, %get3A_163] : memref<1024x128xf32, #tpu.memory_space<vmem>>, vector<1024x128xf32>
    %dot_general3A_165 = arith.constant dense<0.000000e+00> : vector<1024x512xf32>
    %dot_general3A_166 = tpu.matmul %get3A_164, %get3A_111, %dot_general3A_165 {dimension_numbers = #tpu.dot_dimension_numbers<[1], [1], [0], [0], [0, 0, 1, 0], [], []>, transpose_lhs_hint = false} : vector<1024x128xf32>, vector<512x128xf32>, vector<1024x512xf32> -> vector<1024x512xf32>
    %add3A_167 = arith.addf %dot_general3A_161, %dot_general3A_166 : vector<1024x512xf32>
    %add3A_168 = vector.broadcast %add3A_99 : vector<1x512xf32> to vector<1024x512xf32>
    %add3A_169 = arith.addf %add3A_167, %add3A_168 : vector<1024x512xf32>
    %slice3A_170 = vector.extract_strided_slice %add3A_169 {offsets = [0, 0], sizes = [1024, 128], strides = [1, 1]} : vector<1024x512xf32> to vector<1024x128xf32>
    %logistic3A_171 = arith.negf %slice3A_170 : vector<1024x128xf32>
    %logistic3A_172 = math.exp %logistic3A_171 : vector<1024x128xf32>
    %logistic3A_173 = arith.constant 1.000000e+00 : f32
    %logistic3A_174 = vector.broadcast %logistic3A_173 : f32 to vector<1024x128xf32>
    %logistic3A_175 = arith.addf %logistic3A_174, %logistic3A_172 : vector<1024x128xf32>
    %logistic3A_176 = arith.divf %logistic3A_174, %logistic3A_175 : vector<1024x128xf32>
    %slice3A_177 = vector.extract_strided_slice %add3A_169 {offsets = [0, 128], sizes = [1024, 128], strides = [1, 1]} : vector<1024x512xf32> to vector<1024x128xf32>
    %logistic3A_178 = arith.negf %slice3A_177 : vector<1024x128xf32>
    %logistic3A_179 = math.exp %logistic3A_178 : vector<1024x128xf32>
    %logistic3A_180 = arith.constant 1.000000e+00 : f32
    %logistic3A_181 = vector.broadcast %logistic3A_180 : f32 to vector<1024x128xf32>
    %logistic3A_182 = arith.addf %logistic3A_181, %logistic3A_179 : vector<1024x128xf32>
    %logistic3A_183 = arith.divf %logistic3A_181, %logistic3A_182 : vector<1024x128xf32>
    %slice3A_184 = vector.extract_strided_slice %add3A_169 {offsets = [0, 256], sizes = [1024, 128], strides = [1, 1]} : vector<1024x512xf32> to vector<1024x128xf32>
    %tanh3A_185 = math.tanh %slice3A_184 : vector<1024x128xf32>
    %slice3A_186 = vector.extract_strided_slice %add3A_169 {offsets = [0, 384], sizes = [1024, 128], strides = [1, 1]} : vector<1024x512xf32> to vector<1024x128xf32>
    %logistic3A_187 = arith.negf %slice3A_186 : vector<1024x128xf32>
    %logistic3A_188 = math.exp %logistic3A_187 : vector<1024x128xf32>
    %logistic3A_189 = arith.constant 1.000000e+00 : f32
    %logistic3A_190 = vector.broadcast %logistic3A_189 : f32 to vector<1024x128xf32>
    %logistic3A_191 = arith.addf %logistic3A_190, %logistic3A_188 : vector<1024x128xf32>
    %logistic3A_192 = arith.divf %logistic3A_190, %logistic3A_191 : vector<1024x128xf32>
    %get3A_193 = arith.constant 0 : index
    %get3A_194 = arith.constant 0 : index
    %get3A_195 = vector.load %arg15[%get3A_193, %get3A_194] : memref<1024x128xf32, #tpu.memory_space<vmem>>, vector<1024x128xf32>
    %mul3A_196 = arith.mulf %logistic3A_183, %get3A_195 : vector<1024x128xf32>
    %mul3A_197 = arith.mulf %logistic3A_176, %tanh3A_185 : vector<1024x128xf32>
    %add3A_198 = arith.addf %mul3A_196, %mul3A_197 : vector<1024x128xf32>
    %tanh3A_199 = math.tanh %add3A_198 : vector<1024x128xf32>
    %mul3A_200 = arith.mulf %logistic3A_192, %tanh3A_199 : vector<1024x128xf32>
    %dma_wait3A_201 = arith.constant 0 : i32
    %dma_wait3A_202 = tpu.memref_slice %arg23[%dma_wait3A_201] : memref<1x!tpu.dma_semaphore, #tpu.memory_space<semaphore_mem>> -> memref<1x!tpu.dma_semaphore, #tpu.memory_space<semaphore_mem>>
    %dma_wait3A_203 = tpu.memref_squeeze %dma_wait3A_202 : memref<1x!tpu.dma_semaphore, #tpu.memory_space<semaphore_mem>> -> memref<!tpu.dma_semaphore, #tpu.memory_space<semaphore_mem>>
    %dma_wait3A_204 = arith.constant 98304 : i32
    %dma_wait3A_205 = arith.constant 0 : i32
    %dma_wait3A_206 = tpu.memref_slice %arg10[%dma_wait3A_204, %dma_wait3A_205] : memref<100000x128xf32, #tpu.memory_space<any>> -> memref<1696x128xf32, #tpu.memory_space<any>>
    tpu.wait_dma2 semaphore(%dma_wait3A_203 : memref<!tpu.dma_semaphore, #tpu.memory_space<semaphore_mem>>) src(%dma_wait3A_206 : memref<1696x128xf32, #tpu.memory_space<any>>) dst(%arg18 : memref<1696x128xf32, #tpu.memory_space<vmem>>)
    %get3A_207 = arith.constant 0 : index
    %get3A_208 = arith.constant 0 : index
    %get3A_209 = vector.load %arg18[%get3A_207, %get3A_208] : memref<1696x128xf32, #tpu.memory_space<vmem>>, vector<1696x128xf32>
    %dot_general3A_210 = arith.constant dense<0.000000e+00> : vector<1024x1696xf32>
    %dot_general3A_211 = tpu.matmul %mul3A_200, %get3A_209, %dot_general3A_210 {dimension_numbers = #tpu.dot_dimension_numbers<[1], [1], [0], [0], [0, 0, 1, 0], [], []>, transpose_lhs_hint = false} : vector<1024x128xf32>, vector<1696x128xf32>, vector<1024x1696xf32> -> vector<1024x1696xf32>
    %get3A_212 = arith.constant 0 : index
    %get3A_213 = arith.constant 98304 : index
    %get3A_214 = vector.load %arg8[%get3A_212, %get3A_213] : memref<1x100000xf32, #tpu.memory_space<vmem>>, vector<1x1696xf32>
    %add3A_215 = vector.broadcast %get3A_214 : vector<1x1696xf32> to vector<1024x1696xf32>
    %add3A_216 = arith.addf %dot_general3A_211, %add3A_215 : vector<1024x1696xf32>
    %swap3A_217 = arith.constant 0 : index
    %swap3A_218 = arith.constant 0 : index
    %swap3A_219 = vector.load %arg20[%swap3A_217, %swap3A_218] : memref<1024x1696xf32, #tpu.memory_space<vmem>>, vector<1024x1696xf32>
    tpu.vector_store %arg20[%swap3A_217, %swap3A_218], %add3A_216 {strides = array<i32>} : memref<1024x1696xf32, #tpu.memory_space<vmem>>, vector<1024x1696xf32>,
    %dma_start3A_220 = arith.constant 0 : i32
    %dma_start3A_221 = tpu.memref_slice %arg23[%dma_start3A_220] : memref<1x!tpu.dma_semaphore, #tpu.memory_space<semaphore_mem>> -> memref<1x!tpu.dma_semaphore, #tpu.memory_space<semaphore_mem>>
    %dma_start3A_222 = tpu.memref_squeeze %dma_start3A_221 : memref<1x!tpu.dma_semaphore, #tpu.memory_space<semaphore_mem>> -> memref<!tpu.dma_semaphore, #tpu.memory_space<semaphore_mem>>
    %dma_start3A_223 = arith.constant 0 : i32
    %dma_start3A_224 = arith.constant 98304 : i32
    %dma_start3A_225 = tpu.memref_slice %arg11[%dma_start3A_223, %dma_start3A_224] : memref<1024x100000xf32, #tpu.memory_space<any>> -> memref<1024x1696xf32, #tpu.memory_space<any>>
    tpu.enqueue_dma source(%arg20 : memref<1024x1696xf32, #tpu.memory_space<vmem>>) target(%dma_start3A_225 : memref<1024x1696xf32, #tpu.memory_space<any>>) target_semaphore(%dma_start3A_222 : memref<!tpu.dma_semaphore, #tpu.memory_space<semaphore_mem>>)
    %scan3A_226 = arith.constant 0 : i32
    %scan3A_227 = arith.constant 48 : i32
    %scan3A_228 = arith.addi %scan3A_226, %scan3A_227 : i32
    %scan3A_229 = arith.constant 1 : i32
    scf.for %scan3A_259 = %scan3A_226 to %scan3A_228 step %scan3A_229  : i32 {
      %rem3A = arith.constant 30 : i32
      %rem3A_260 = arith.remsi %scan3A_259, %rem3A : i32
      %rem3A_261 = arith.constant 2 : i32
      %rem3A_262 = arith.remsi %scan3A_259, %rem3A_261 : i32
      %mul3A_263 = arith.constant 2048 : i32
      %mul3A_264 = arith.muli %scan3A_259, %mul3A_263 : i32
      %dma_wait3A_265 = tpu.memref_slice %arg22[%rem3A_260] : memref<30x!tpu.dma_semaphore, #tpu.memory_space<semaphore_mem>> -> memref<1x!tpu.dma_semaphore, #tpu.memory_space<semaphore_mem>>
      %dma_wait3A_266 = tpu.memref_squeeze %dma_wait3A_265 : memref<1x!tpu.dma_semaphore, #tpu.memory_space<semaphore_mem>> -> memref<!tpu.dma_semaphore, #tpu.memory_space<semaphore_mem>>
      %dma_wait3A_267 = arith.constant 0 : i32
      %dma_wait3A_268 = arith.constant 0 : i32
      %dma_wait3A_269 = tpu.memref_slice %arg17[%rem3A_260, %dma_wait3A_267, %dma_wait3A_268] : memref<30x2048x128xf32, #tpu.memory_space<vmem>> -> memref<1x2048x128xf32, #tpu.memory_space<vmem>>
      %dma_wait3A_270 = tpu.memref_squeeze %dma_wait3A_269 : memref<1x2048x128xf32, #tpu.memory_space<vmem>> -> memref<2048x128xf32, #tpu.memory_space<vmem>>
      %dma_wait3A_271 = arith.constant 0 : i32
      %dma_wait3A_272 = tpu.memref_slice %arg10[%mul3A_264, %dma_wait3A_271] : memref<100000x128xf32, #tpu.memory_space<any>> -> memref<2048x128xf32, #tpu.memory_space<any>>
      tpu.wait_dma2 semaphore(%dma_wait3A_266 : memref<!tpu.dma_semaphore, #tpu.memory_space<semaphore_mem>>) src(%dma_wait3A_272 : memref<2048x128xf32, #tpu.memory_space<any>>) dst(%dma_wait3A_270 : memref<2048x128xf32, #tpu.memory_space<vmem>>)
      %ge3A = arith.constant 2 : i32
      %ge3A_273 = arith.cmpi sge, %scan3A_259, %ge3A : i32
      %convert_element_type3A = arith.extui %ge3A_273 : i1 to i32
      %cond3A = arith.constant 0 : i32
      %cond3A_274 = arith.cmpi ne, %convert_element_type3A, %cond3A : i32
      scf.if %cond3A_274 {
        %sub3A = arith.constant 2 : i32
        %sub3A_311 = arith.subi %scan3A_259, %sub3A : i32
        %mul3A_312 = arith.constant 2048 : i32
        %mul3A_313 = arith.muli %sub3A_311, %mul3A_312 : i32
        %dma_wait3A_314 = tpu.memref_slice %arg24[%rem3A_262] : memref<2x!tpu.dma_semaphore, #tpu.memory_space<semaphore_mem>> -> memref<1x!tpu.dma_semaphore, #tpu.memory_space<semaphore_mem>>
        %dma_wait3A_315 = tpu.memref_squeeze %dma_wait3A_314 : memref<1x!tpu.dma_semaphore, #tpu.memory_space<semaphore_mem>> -> memref<!tpu.dma_semaphore, #tpu.memory_space<semaphore_mem>>
        %dma_wait3A_316 = arith.constant 0 : i32
        %dma_wait3A_317 = tpu.memref_slice %arg11[%dma_wait3A_316, %mul3A_313] : memref<1024x100000xf32, #tpu.memory_space<any>> -> memref<1024x2048xf32, #tpu.memory_space<any>>
        %dma_wait3A_318 = arith.constant 0 : i32
        %dma_wait3A_319 = arith.constant 0 : i32
        %dma_wait3A_320 = tpu.memref_slice %arg19[%rem3A_262, %dma_wait3A_318, %dma_wait3A_319] : memref<2x1024x2048xf32, #tpu.memory_space<vmem>> -> memref<1x1024x2048xf32, #tpu.memory_space<vmem>>
        %dma_wait3A_321 = tpu.memref_squeeze %dma_wait3A_320 : memref<1x1024x2048xf32, #tpu.memory_space<vmem>> -> memref<1024x2048xf32, #tpu.memory_space<vmem>>
        tpu.wait_dma2 semaphore(%dma_wait3A_315 : memref<!tpu.dma_semaphore, #tpu.memory_space<semaphore_mem>>) src(%dma_wait3A_321 : memref<1024x2048xf32, #tpu.memory_space<vmem>>) dst(%dma_wait3A_317 : memref<1024x2048xf32, #tpu.memory_space<any>>)
      } else {
      }
      %get3A_275 = arith.index_cast %rem3A_260 : i32 to index
      %get3A_276 = arith.constant 0 : index
      %get3A_277 = arith.constant 0 : index
      %get3A_278 = vector.load %arg17[%get3A_275, %get3A_276, %get3A_277] : memref<30x2048x128xf32, #tpu.memory_space<vmem>>, vector<1x2048x128xf32>
      %get3A_279 = vector.shape_cast %get3A_278 : vector<1x2048x128xf32> to vector<2048x128xf32>
      %dot_general3A_280 = arith.constant dense<0.000000e+00> : vector<1024x2048xf32>
      %dot_general3A_281 = tpu.matmul %mul3A_200, %get3A_279, %dot_general3A_280 {dimension_numbers = #tpu.dot_dimension_numbers<[1], [1], [0], [0], [0, 0, 1, 0], [], []>, transpose_lhs_hint = false} : vector<1024x128xf32>, vector<2048x128xf32>, vector<1024x2048xf32> -> vector<1024x2048xf32>
      %mul3A_282 = arith.constant 2048 : i32
      %mul3A_283 = arith.muli %scan3A_259, %mul3A_282 : i32
      %get3A_284 = arith.constant 0 : index
      %get3A_285 = arith.index_cast %mul3A_283 : i32 to index
      %get3A_286 = vector.load %arg8[%get3A_284, %get3A_285] : memref<1x100000xf32, #tpu.memory_space<vmem>>, vector<1x2048xf32>
      %add3A_287 = vector.broadcast %get3A_286 : vector<1x2048xf32> to vector<1024x2048xf32>
      %add3A_288 = arith.addf %dot_general3A_281, %add3A_287 : vector<1024x2048xf32>
      %swap3A_289 = arith.index_cast %rem3A_262 : i32 to index
      %swap3A_290 = arith.constant 0 : index
      %swap3A_291 = arith.constant 0 : index
      %swap3A_292 = vector.load %arg19[%swap3A_289, %swap3A_290, %swap3A_291] : memref<2x1024x2048xf32, #tpu.memory_space<vmem>>, vector<1x1024x2048xf32>
      %swap3A_293 = vector.shape_cast %swap3A_292 : vector<1x1024x2048xf32> to vector<1024x2048xf32>
      %swap3A_294 = vector.shape_cast %add3A_288 : vector<1024x2048xf32> to vector<1x1024x2048xf32>
      tpu.vector_store %arg19[%swap3A_289, %swap3A_290, %swap3A_291], %swap3A_294 {strides = array<i32>} : memref<2x1024x2048xf32, #tpu.memory_space<vmem>>, vector<1x1024x2048xf32>,
      %mul3A_295 = arith.constant 2048 : i32
      %mul3A_296 = arith.muli %scan3A_259, %mul3A_295 : i32
      %dma_start3A_297 = tpu.memref_slice %arg24[%rem3A_262] : memref<2x!tpu.dma_semaphore, #tpu.memory_space<semaphore_mem>> -> memref<1x!tpu.dma_semaphore, #tpu.memory_space<semaphore_mem>>
      %dma_start3A_298 = tpu.memref_squeeze %dma_start3A_297 : memref<1x!tpu.dma_semaphore, #tpu.memory_space<semaphore_mem>> -> memref<!tpu.dma_semaphore, #tpu.memory_space<semaphore_mem>>
      %dma_start3A_299 = arith.constant 0 : i32
      %dma_start3A_300 = tpu.memref_slice %arg11[%dma_start3A_299, %mul3A_296] : memref<1024x100000xf32, #tpu.memory_space<any>> -> memref<1024x2048xf32, #tpu.memory_space<any>>
      %dma_start3A_301 = arith.constant 0 : i32
      %dma_start3A_302 = arith.constant 0 : i32
      %dma_start3A_303 = tpu.memref_slice %arg19[%rem3A_262, %dma_start3A_301, %dma_start3A_302] : memref<2x1024x2048xf32, #tpu.memory_space<vmem>> -> memref<1x1024x2048xf32, #tpu.memory_space<vmem>>
      %dma_start3A_304 = tpu.memref_squeeze %dma_start3A_303 : memref<1x1024x2048xf32, #tpu.memory_space<vmem>> -> memref<1024x2048xf32, #tpu.memory_space<vmem>>
      tpu.enqueue_dma source(%dma_start3A_304 : memref<1024x2048xf32, #tpu.memory_space<vmem>>) target(%dma_start3A_300 : memref<1024x2048xf32, #tpu.memory_space<any>>) target_semaphore(%dma_start3A_298 : memref<!tpu.dma_semaphore, #tpu.memory_space<semaphore_mem>>)
      %add3A_305 = arith.constant 30 : i32
      %add3A_306 = arith.addi %scan3A_259, %add3A_305 : i32
      %lt3A = arith.constant 48 : i32
      %lt3A_307 = arith.cmpi slt, %add3A_306, %lt3A : i32
      %convert_element_type3A_308 = arith.extui %lt3A_307 : i1 to i32
      %cond3A_309 = arith.constant 0 : i32
      %cond3A_310 = arith.cmpi ne, %convert_element_type3A_308, %cond3A_309 : i32
      scf.if %cond3A_310 {
        %add3A_311 = arith.constant 30 : i32
        %add3A_312 = arith.addi %scan3A_259, %add3A_311 : i32
        %mul3A_313 = arith.constant 2048 : i32
        %mul3A_314 = arith.muli %add3A_312, %mul3A_313 : i32
        %dma_start3A_315 = tpu.memref_slice %arg22[%rem3A_260] : memref<30x!tpu.dma_semaphore, #tpu.memory_space<semaphore_mem>> -> memref<1x!tpu.dma_semaphore, #tpu.memory_space<semaphore_mem>>
        %dma_start3A_316 = tpu.memref_squeeze %dma_start3A_315 : memref<1x!tpu.dma_semaphore, #tpu.memory_space<semaphore_mem>> -> memref<!tpu.dma_semaphore, #tpu.memory_space<semaphore_mem>>
        %dma_start3A_317 = arith.constant 0 : i32
        %dma_start3A_318 = arith.constant 0 : i32
        %dma_start3A_319 = tpu.memref_slice %arg17[%rem3A_260, %dma_start3A_317, %dma_start3A_318] : memref<30x2048x128xf32, #tpu.memory_space<vmem>> -> memref<1x2048x128xf32, #tpu.memory_space<vmem>>
        %dma_start3A_320 = tpu.memref_squeeze %dma_start3A_319 : memref<1x2048x128xf32, #tpu.memory_space<vmem>> -> memref<2048x128xf32, #tpu.memory_space<vmem>>
        %dma_start3A_321 = arith.constant 0 : i32
        %dma_start3A_322 = tpu.memref_slice %arg10[%mul3A_314, %dma_start3A_321] : memref<100000x128xf32, #tpu.memory_space<any>> -> memref<2048x128xf32, #tpu.memory_space<any>>
        tpu.enqueue_dma source(%dma_start3A_322 : memref<2048x128xf32, #tpu.memory_space<any>>) target(%dma_start3A_320 : memref<2048x128xf32, #tpu.memory_space<vmem>>) target_semaphore(%dma_start3A_316 : memref<!tpu.dma_semaphore, #tpu.memory_space<semaphore_mem>>)
      } else {
      }
    }
    %scan3A_230 = arith.constant 48 : i32
    %dma_wait3A_231 = arith.constant 0 : i32
    %dma_wait3A_232 = arith.constant 0 : i32
    %dma_wait3A_233 = tpu.memref_slice %arg24[%dma_wait3A_232] : memref<2x!tpu.dma_semaphore, #tpu.memory_space<semaphore_mem>> -> memref<1x!tpu.dma_semaphore, #tpu.memory_space<semaphore_mem>>
    %dma_wait3A_234 = tpu.memref_squeeze %dma_wait3A_233 : memref<1x!tpu.dma_semaphore, #tpu.memory_space<semaphore_mem>> -> memref<!tpu.dma_semaphore, #tpu.memory_space<semaphore_mem>>
    %dma_wait3A_235 = arith.constant 0 : i32
    %dma_wait3A_236 = arith.constant 94208 : i32
    %dma_wait3A_237 = tpu.memref_slice %arg11[%dma_wait3A_235, %dma_wait3A_236] : memref<1024x100000xf32, #tpu.memory_space<any>> -> memref<1024x2048xf32, #tpu.memory_space<any>>
    %dma_wait3A_238 = arith.constant 0 : i32
    %dma_wait3A_239 = arith.constant 0 : i32
    %dma_wait3A_240 = tpu.memref_slice %arg19[%dma_wait3A_231, %dma_wait3A_238, %dma_wait3A_239] : memref<2x1024x2048xf32, #tpu.memory_space<vmem>> -> memref<1x1024x2048xf32, #tpu.memory_space<vmem>>
    %dma_wait3A_241 = tpu.memref_squeeze %dma_wait3A_240 : memref<1x1024x2048xf32, #tpu.memory_space<vmem>> -> memref<1024x2048xf32, #tpu.memory_space<vmem>>
    tpu.wait_dma2 semaphore(%dma_wait3A_234 : memref<!tpu.dma_semaphore, #tpu.memory_space<semaphore_mem>>) src(%dma_wait3A_241 : memref<1024x2048xf32, #tpu.memory_space<vmem>>) dst(%dma_wait3A_237 : memref<1024x2048xf32, #tpu.memory_space<any>>)
    %dma_wait3A_242 = arith.constant 1 : i32
    %dma_wait3A_243 = arith.constant 1 : i32
    %dma_wait3A_244 = tpu.memref_slice %arg24[%dma_wait3A_243] : memref<2x!tpu.dma_semaphore, #tpu.memory_space<semaphore_mem>> -> memref<1x!tpu.dma_semaphore, #tpu.memory_space<semaphore_mem>>
    %dma_wait3A_245 = tpu.memref_squeeze %dma_wait3A_244 : memref<1x!tpu.dma_semaphore, #tpu.memory_space<semaphore_mem>> -> memref<!tpu.dma_semaphore, #tpu.memory_space<semaphore_mem>>
    %dma_wait3A_246 = arith.constant 0 : i32
    %dma_wait3A_247 = arith.constant 96256 : i32
    %dma_wait3A_248 = tpu.memref_slice %arg11[%dma_wait3A_246, %dma_wait3A_247] : memref<1024x100000xf32, #tpu.memory_space<any>> -> memref<1024x2048xf32, #tpu.memory_space<any>>
    %dma_wait3A_249 = arith.constant 0 : i32
    %dma_wait3A_250 = arith.constant 0 : i32
    %dma_wait3A_251 = tpu.memref_slice %arg19[%dma_wait3A_242, %dma_wait3A_249, %dma_wait3A_250] : memref<2x1024x2048xf32, #tpu.memory_space<vmem>> -> memref<1x1024x2048xf32, #tpu.memory_space<vmem>>
    %dma_wait3A_252 = tpu.memref_squeeze %dma_wait3A_251 : memref<1x1024x2048xf32, #tpu.memory_space<vmem>> -> memref<1024x2048xf32, #tpu.memory_space<vmem>>
    tpu.wait_dma2 semaphore(%dma_wait3A_245 : memref<!tpu.dma_semaphore, #tpu.memory_space<semaphore_mem>>) src(%dma_wait3A_252 : memref<1024x2048xf32, #tpu.memory_space<vmem>>) dst(%dma_wait3A_248 : memref<1024x2048xf32, #tpu.memory_space<any>>)
    %dma_wait3A_253 = arith.constant 0 : i32
    %dma_wait3A_254 = tpu.memref_slice %arg23[%dma_wait3A_253] : memref<1x!tpu.dma_semaphore, #tpu.memory_space<semaphore_mem>> -> memref<1x!tpu.dma_semaphore, #tpu.memory_space<semaphore_mem>>
    %dma_wait3A_255 = tpu.memref_squeeze %dma_wait3A_254 : memref<1x!tpu.dma_semaphore, #tpu.memory_space<semaphore_mem>> -> memref<!tpu.dma_semaphore, #tpu.memory_space<semaphore_mem>>
    %dma_wait3A_256 = arith.constant 0 : i32
    %dma_wait3A_257 = arith.constant 98304 : i32
    %dma_wait3A_258 = tpu.memref_slice %arg11[%dma_wait3A_256, %dma_wait3A_257] : memref<1024x100000xf32, #tpu.memory_space<any>> -> memref<1024x1696xf32, #tpu.memory_space<any>>
    tpu.wait_dma2 semaphore(%dma_wait3A_255 : memref<!tpu.dma_semaphore, #tpu.memory_space<semaphore_mem>>) src(%arg20 : memref<1024x1696xf32, #tpu.memory_space<vmem>>) dst(%dma_wait3A_258 : memref<1024x1696xf32, #tpu.memory_space<any>>)
    return
  }
}

</mosaic_0001>

<sc_bundles>
// kernel: kernel.4.cloned.1.call-start
scs
__scs_entry_jumppad:
0x0: {  	(pc) =	sbr.rel $0x88, $3  }
0x1: {  	(tag) =	ssettag $0x0;
	lr =	simm.s32 $0x1  }
0x2: {  	[smem:$0x3F95] =	sst lr;
	_ =	strace $0xD0000000  }
0x3: {  	_ = 	snop  }
0x4: {  	_ = 	snop  }
0x5: {  	_ = 	snop  }
0x6: {  	_ = 	snop  }
0x7: {  	_ = 	snop  }
__scs_overlays_trampoline_lowered:
0x8: {  	[smem:$0x3FA4] =	sst s0  }
0x9: {  	[smem:$0x3FA5] =	sst s1  }
0xa: {  	[smem:$0x3FA6] =	sst s2  }
0xb: {  	[smem:$0x3FA7] =	sst s3  }
0xc: {  	[smem:$0x3FA8] =	sst s4  }
0xd: {  	[smem:$0x3FA9] =	sst s5  }
0xe: {  	[smem:$0x3FAA] =	sst s6  }
0xf: {  	[smem:$0x3FAB] =	sst s7  }
0x10: {  	[smem:$0x3FAC] =	sst s8  }
0x11: {  	[smem:$0x3FAD] =	sst s9;
	s0 =	simm.s32 @!p0 $0x0  }
0x12: {  	s1 =	sld [smem:$0x3F93];
	s0 =	simm.s32 @p0 $0x1  }
0x13: {  	[smem:$0x3FAE] =	sst s0;
	s0 =	simm.s32 @!p1 $0x0  }
0x14: {  	s2 =	sld [smem:$0x3F92];
	s0 =	simm.s32 @p1 $0x1  }
0x15: {  	[smem:$0x3FAF] =	sst s0;
	s0 =	simm.s32 @!p2 $0x0  }
0x16: {  	s3 =	sld [smem:$0x3FDB];
	s0 =	simm.s32 @p2 $0x1  }
0x17: {  	s4 =	simm.s32 $0x1BF5;
	[smem:$0x3FB1] =	sst s0  }
0x18: {  	s0 =	sld [smem:$0x3F94];
	_ =	swait.ge [sflag:s4], $0x0  }
0x19: {  	s7 =	sld [smem:$0x3F95]  }
0x1a: {  	s8 =	sadd.s32 $0xFFFFE003, lr  }
0x1b: {  	s9 =	sadd.s32 $0xFFFFFEF7, lr;
	s5 =	simm.s32 $0xFFFFFFFF;
	p2 =	slt.u32 s8, $0xFFFFF086  }
0x1c: {  	p1 =	slt.u32 s9, $0xF7A;
	s5 =	simm.s32 @!p2 $0x0  }
0x1d: {  	s5 =	simm.s32 @p1 $0x1;
	p0 =	seq.s32 s7, s2  }
0x1e: {  	s7 =	smul.u32 @!p0 $0xF7A, s2;
	p2 =	seq.s32 @!p0 s5, $0x0  }
0x1f: {  	s9 =	smul.u32 $0xF7A, s1;
	s8 =	simm.s32 @!p0 $0x1BF5;
	p2 =	por !p2, p0  }
0x20: {  	[sflag:s8] =	ssyncset.s32 @!p0 $0xFFFFF086;
	s6 =	sadd.s32 @!p0 s3, s7;
	s7 =	simm.s32 @!p0 $0x108  }
0x21: {  	s3 =	sadd.s32 s3, s9;
	s6 =	sadd.s32 @!p0 $0x88, s6;
	s7 =	simm.s32 @p2 $0x1082  }
0x22: {  	[simem:s7], [sflag:s8] =	dma.local @!p0 [hbm:s6], $0xF7A  }
0x23: {  	s9 =	sor.u32 $0xD0000000, s2;
	s6 =	simm.s32 $0x108;
	_ =	swait.ge @!p0 [sflag:s8], $0x0  }
0x24: {  	s3 =	sadd.s32 $0x88, s3;
	s6 =	simm.s32 @!p1 $0x1082;
	[sflag:s4] =	ssyncset.s32 $0xFFFFF086  }
0x25: {  	[simem:s6], [sflag:s4] =	dma.local [hbm:s3], $0xF7A  }
0x26: {  	[smem:$0x3F95] =	sst s1;
	(tag) =	ssettag s2;
	_ =	strace s9  }
0x27: {  	s1 =	sld [smem:$0x3FA5]  }
0x28: {  	s2 =	sld [smem:$0x3FA6]  }
0x29: {  	s4 =	sld [smem:$0x3FA8]  }
0x2a: {  	p0 =	seq.s32 s5, $0x0;
	s5 =	sld [smem:$0x3FA9]  }
0x2b: {  	s6 =	sld [smem:$0x3FAA]  }
0x2c: {  	s7 =	sld [smem:$0x3FAB]  }
0x2d: {  	s3 =	simm.s32 $0x108;
	s8 =	sld [smem:$0x3FAC]  }
0x2e: {  	s3 =	simm.s32 @!p0 $0x1082;
	s9 =	sld [smem:$0x3FAD]  }
0x2f: {  	lr =	sadd.s32 s0, s3;
	s0 =	sld [smem:$0x3FA4]  }
0x30: {  	s3 =	sld [smem:$0x3FA7]  }
0x31: {  	[smem:$0x3FB0] =	sst s10  }
0x32: {  	s10 =	sld [smem:$0x3FAE];
	_ =	sdelay $0x3  }
0x33: {  	p0 =	seq.s32 s10, $0x1;
	s10 =	sld [smem:$0x3FB0];
	_ =	sdelay $0x3  }
0x34: {  	[smem:$0x3FB0] =	sst s10  }
0x35: {  	s10 =	sld [smem:$0x3FAF];
	_ =	sdelay $0x3  }
0x36: {  	p1 =	seq.s32 s10, $0x1;
	s10 =	sld [smem:$0x3FB0];
	_ =	sdelay $0x3  }
0x37: {  	[smem:$0x3FB0] =	sst s10  }
0x38: {  	s10 =	sld [smem:$0x3FB1]  }
0x39: {  	_ = 	snop;
	(pc) =	sbr.ind lr, $3  }
0x3a: {  	_ = 	snop  }
0x3b: {  	_ = 	snop  }
0x3c: {  	p2 =	seq.s32 s10, $0x1;
	s10 =	sld [smem:$0x3FB0]  }
0x3d: {  	_ =	shalt  }
0x3e: {  	_ =	shalt  }
0x3f: {  	_ =	shalt  }
0x40: {  	_ =	shalt  }
0x41: {  	_ =	shalt  }
0x42: {  	_ =	shalt  }
0x43: {  	_ =	shalt  }
0x44: {  	_ =	shalt  }
0x45: {  	_ =	shalt  }
0x46: {  	_ =	shalt  }
0x47: {  	_ =	shalt  }
0x48: {  	_ =	shalt  }
0x49: {  	_ =	shalt  }
0x4a: {  	_ =	shalt  }
0x4b: {  	_ =	shalt  }
0x4c: {  	_ =	shalt  }
0x4d: {  	_ =	shalt  }
0x4e: {  	_ =	shalt  }
0x4f: {  	_ =	shalt  }
0x50: {  	_ =	shalt  }
0x51: {  	_ =	shalt  }
0x52: {  	_ =	shalt  }
0x53: {  	_ =	shalt  }
0x54: {  	_ =	shalt  }
0x55: {  	_ =	shalt  }
0x56: {  	_ =	shalt  }
0x57: {  	_ =	shalt  }
0x58: {  	_ =	shalt  }
0x59: {  	_ =	shalt  }
0x5a: {  	_ =	shalt  }
0x5b: {  	_ =	shalt  }
0x5c: {  	_ =	shalt  }
0x5d: {  	_ =	shalt  }
0x5e: {  	_ =	shalt  }
0x5f: {  	_ =	shalt  }
0x60: {  	_ =	shalt  }
0x61: {  	_ =	shalt  }
0x62: {  	_ =	shalt  }
0x63: {  	_ =	shalt  }
0x64: {  	_ =	shalt  }
0x65: {  	_ =	shalt  }
0x66: {  	_ =	shalt  }
0x67: {  	_ =	shalt  }
0x68: {  	_ =	shalt  }
0x69: {  	_ =	shalt  }
0x6a: {  	_ =	shalt  }
0x6b: {  	_ =	shalt  }
0x6c: {  	_ =	shalt  }
0x6d: {  	_ =	shalt  }
0x6e: {  	_ =	shalt  }
0x6f: {  	_ =	shalt  }
0x70: {  	_ =	shalt  }
0x71: {  	_ =	shalt  }
0x72: {  	_ =	shalt  }
0x73: {  	_ =	shalt  }
0x74: {  	_ =	shalt  }
0x75: {  	_ =	shalt  }
0x76: {  	_ =	shalt  }
0x77: {  	_ =	shalt  }
0x78: {  	_ =	shalt  }
0x79: {  	_ =	shalt  }
0x7a: {  	_ =	shalt  }
0x7b: {  	_ =	shalt  }
0x7c: {  	_ =	shalt  }
0x7d: {  	_ =	shalt  }
0x7e: {  	_ =	shalt  }
0x7f: {  	_ =	shalt  }
0x80: {  	_ =	shalt  }
0x81: {  	_ =	shalt  }
0x82: {  	_ =	shalt  }
0x83: {  	_ =	shalt  }
0x84: {  	_ =	shalt  }
0x85: {  	_ =	shalt  }
0x86: {  	_ =	shalt  }
0x87: {  	_ =	shalt  }
.Lfunc_end0:
.L_simem_size_0:
called_computation_lowered:
.L_overlay_start_0:
0x88: {  	s2 =	sld [smem:$0x3FD9]  }
0x89: {  	s3 =	sld [smem:$0x3FFE];
	_ =	sdelay $0x1  }
0x8a: {  	s1 =	srdreg.scid  }
0x8b: {  	s0 =	sand.u32 $0x1, s1  }
0x8c: {  	s16 =	sshll.u32 s0, $0xA;
	s2 =	sadd.s32 s3, s2  }
0x8d: {  	s2 =	sadd.s32 s2, s16  }
0x8e: {  	[smem:$0x3FBC] =	sst s2  }
0x8f: {  	_ = 	snop  }
0x90: {  	(tm) =	ssettm $0x1  }
0x91: {  	s17 =	sld [smem:$0x3FFB];
	_ =	sdelay $0x3  }
0x92: {  	_ =	strace s17  }
0x93: {  	s2 =	sld [smem:$0x3FFC];
	_ =	sdelay $0x3  }
0x94: {  	_ =	strace s2  }
0x95: {  	s2 =	sld [smem:$0x3FFD];
	_ =	sdelay $0x3  }
0x96: {  	_ =	strace s2  }
0x97: {  	_ =	strace $0x8FFFFFFF  }
0x98: {  	s18 =	sld [smem:$0x3FDB];
	_ =	sdelay $0x1  }
0x99: {  	s19 =	simm.s32 $_scs_section_size  }
0x9a: {  	s4 =	simm.s32 $_size__tile_overlayer_lowered;
	s5 =	simm.s32 $_tile_overlayer_lowered  }
0x9b: {  	s22 =	simm.s32 $0x1BFF;
	s21 =	sshll.u32 s5, $0x1;
	s2 =	sadd.s32 s19, s18  }
0x9c: {  	s6 =	simm.s32 $0x0;
	s20 =	sshll.u32 s4, $0x1;
	s4 =	sadd.s32 s21, s2  }
0x9d: {  	[timem:s6], [sflag:s22] =	dma.local [hbm:s4], s20  }
0x9e: {  	_ =	swait.ge [sflag:s22], s20  }
0x9f: {  	s3 =	ssub.s32 $0x0, s20;
	[sflag:s22] =	ssyncset.done $0x0  }
0xa0: {  	[sflag:s22] =	ssyncadd.s32 s3;
	_ =	sdelay $0x1  }
0xa1: {  	s23 =	simm.s32 $0x1B8B  }
0xa2: {  	_ =	swait.ge [sflag:s23], $0x1  }
0xa3: {  	[sflag:s23] =	ssyncset.done $0x0  }
0xa4: {  	s25 =	simm.s32 $0x1B8E;
	s24 =	sld [smem:$0x3FFE];
	[sflag:s23] =	ssyncadd.s32 $0xFFFFFFFF  }
0xa5: {  	s26 =	simm.s32 $execute0_lowered;
	[smem:$0x3FD2] =	sst s25  }
0xa6: {  	s4 =	sshll.u32 s26, $0x1;
	_ =	strace $0x80000046;
	[dreg:$0x1] =	wrdreg $0xFFFFFFFF  }
0xa7: {  	s28 =	simm.s32 $_size_execute0_lowered;
	s2 =	sadd.s32 s2, s4;
	[dreg:$0x0] =	wrdreg $0x0  }
0xa8: {  	s4 =	sshll.u32 s28, $0x1;
	[dreg:$0x2] =	wrdreg s2  }
0xa9: {  	[dreg:$0x3] =	wrdreg s4  }
0xaa: {  	[dreg:$0x4] =	wrdreg $0xC0  }
0xab: {  	_ =	task [dreg:s6], $0x5FFFF  }
0xac: {  	[dreg:$0x1] =	wrdreg $0xFFFFFFFF  }
0xad: {  	[dreg:$0x0] =	wrdreg $0x60  }
0xae: {  	[dreg:$0x2] =	wrdreg s24  }
0xaf: {  	[dreg:$0x3] =	wrdreg $0x9  }
0xb0: {  	_ =	task.clear_ibuf [dreg:s6], $0x4FFFF;
	_ =	strace $0x90000046  }
0xb1: {  	s29 =	simm.s32 $0x9;
	_ =	strace $0x80000048  }
0xb2: {  	_ =	swait.ge [sflag:s29], $0x1  }
0xb3: {  	[sflag:s29] =	ssyncadd.s32 $0xFFFFFFFF  }
0xb4: {  	_ =	strace $0x90000048  }
0xb5: {  	_ =	sfence  }
0xb6: {  	s30 =	sld [smem:$0x0];
	_ =	sdelay $0x2  }
0xb7: {  	s31 =	sshll.u32 s1, $0xD;
	s1 =	sshrl.u32 s1, $0x2  }
0xb8: {  	s3 =	sand.u32 $0x4000, s31;
	s1 =	sadd.s32 s1, s30  }
0xb9: {  	s0 =	sor.u32 s3, s0;
	s1 =	sshll.u32 s1, $0x11  }
0xba: {  	s0 =	sor.u32 s1, s0  }
0xbb: {  	s0 =	sadd.s32 $0x8F2B, s0  }
0xbc: {  	[sflag:s0] =	ssyncadd.remote.s32 $0x1  }
0xbd: {  	_ =	sfence.sel $0xFFFF  }
0xbe: {  	[dreg:$0x0] =	wrdreg $0xFFFFFFFF;
	(pc) =	sbr.abs _section_cstart, $3  }
0xbf: {  	[dreg:$0x1] =	wrdreg $0xFFFFFFFF  }
0xc0: {  	_ =	task.clear_ibuf [dreg:s6], $0x2FFFF;
	_ =	strace $0x9FFFFFFF  }
0xc1: {  	(tm) =	ssettm $0x7FFFFFFF  }
tec
execute0_lowered:
.L_overlay_start_1:
0x0: {  	(tag) =	ssettag $0x1  }
0x1: {  	s1 =	srdreg.scid;
	s0 =	stileid.u32  }
0x2: {  	s6 =	sand.u32 $0x1, s1;
	s30 =	sshll.u32 s0, $0x1  }
0x3: {  	s8 =	rddreg [dreg:$0x0];
	s7 =	sor.u32 s6, s30  }
0x4: {  	s2 =	simm.s32 $0x0;
	s1 =	rddreg [dreg:$0x1];
	s3 =	smul.u32 $0xC8, s7  }
0x5: {  	[smem:$0x7FF] =	sst s2;
	s5 =	sadd.s32 $0x2200, s8  }
0x6: {  	_ =	strace $0x80000047;
	s10 =	ssub.s32 $0x2, s6;
	s3 =	sadd.s32 s3, s8  }
0x7: {  	s6 =	simm.s32 $0x640;
	s4 =	sadd.s32 $0x800, s3;
	s3 =	simm.s32 $0x2  }
0x8: {  	[tilespmem:s2], [sflag:$0x2] =	stream.linear.gather [hbm4b:s4+s2], $0x640, $0x38;
	[tilespmem:$0x19640] =	vst v63  }
0x9: {  	s9 =	smul.u32 $0x3200, s7;
	s11 =	sshrl.u32 s10, $0x1;
	_ =	swait.ge [sflag:s3], $0x640  }
0xa: {  	s7 =	simm.s32 $0x1;
	s31 =	ssub.s32 s10, s11;
	[sflag:s3] =	ssyncset.done $0x0  }
0xb: {  	s8 =	sadd.s32 s9, s8;
	s9 =	smax.u32 s31, $0x1;
	[sflag:s3] =	ssyncadd.s32 $0xFFFFF9C0  }
0xc: {  	[tilespmem:s6], [sflag:$0x1] =	stream.indirect.gather [hbm4b:s5+s6], $0x40, s2, s6, $0xb8;
	[tilespmem:$0x19640] =	vst v63  }
0xd: {  	p0 =	sne.s32 s9, $0x1;
	_ =	swait.ge [sflag:s7], $0x19000  }
.Ltmp0:
0xe: {  	[sflag:s7] =	ssyncset.done $0x0;
	(pc) =	sbr.rel @!p0 .LBB2_2-.Ltmp0, $4  }
0xf: {  	s8 =	sadd.s32 $0xC5800, s8;
	[sflag:s7] =	ssyncadd.s32 $0xFFFE7000  }
0x10: {  	[hbm4b:s8+s2] =	stream.linear.scatter [tilespmem:s6], [sflag:$0x2], $0x19000, $0x38;
	[tilespmem:$0x19640] =	vst v63  }
0x11: {  	_ =	swait.ge [sflag:s3], $0x19000  }
0x12: {  	s9 =	sadd.s32 $0xFFFFFFFF, s9;
	[sflag:s3] =	ssyncset.done $0x0  }
.LBB2_1:
0x13: {  	p0 =	sne.s32 s9, $0x1;
	s9 =	sadd.s32 $0xFFFFFFFF, s9;
	[sflag:s3] =	ssyncadd.s32 $0xFFFE7000  }
0x14: {  	[tilespmem:s2], [sflag:$0x2] =	stream.linear.gather [hbm4b:s4+s2], $0x640, $0x38;
	[tilespmem:$0x19640] =	vst v63  }
0x15: {  	_ =	swait.ge [sflag:s3], $0x640  }
0x16: {  	[sflag:s3] =	ssyncset.done $0x0  }
0x17: {  	[sflag:s3] =	ssyncadd.s32 $0xFFFFF9C0  }
0x18: {  	[tilespmem:s6], [sflag:$0x1] =	stream.indirect.gather [hbm4b:s5+s6], $0x40, s2, s6, $0xb8;
	[tilespmem:$0x19640] =	vst v63  }
0x19: {  	_ =	swait.ge [sflag:s7], $0x19000  }
.Ltmp1:
0x1a: {  	[sflag:s7] =	ssyncset.done $0x0;
	(pc) =	sbr.rel @p0 .LBB2_1-.Ltmp1, $4  }
0x1b: {  	[sflag:s7] =	ssyncadd.s32 $0xFFFE7000  }
0x1c: {  	[hbm4b:s8+s2] =	stream.linear.scatter [tilespmem:s6], [sflag:$0x2], $0x19000, $0x38;
	[tilespmem:$0x19640] =	vst v63  }
0x1d: {  	_ =	swait.ge [sflag:s3], $0x19000  }
0x1e: {  	[sflag:s3] =	ssyncset.done $0x0  }
.LBB2_2:
0x1f: {  	[sflag:s3] =	ssyncadd.s32 $0xFFFE7000  }
0x20: {  	_ =	sfence.sel $0x180000  }
0x21: {  	[bflag:$0x0] =	sbarrier.arrive $0xFFFF  }
0x22: {  	p0 =	sne.s32 s0, $0x0;
	_ =	strace $0x90000047  }
0x23: {  	s0 =	sadd.s32 @!p0 $0x100000, s1;
	[bflag:$0x2] =	sbarrier.arrive $0xFFFF  }
0x24: {  	[sflag:s0] =	ssyncadd.tile.s32 @!p0 $0x1;
	_ =	shalt  }
.Lfunc_end2:
_tile_overlayer_lowered:
.L_overlay_start_2:
0x25: {  	(tag) =	ssettag $0x2  }
0x26: {  	s0 =	rddreg [dreg:$0x0];
	s2 =	stileid.u32  }
0x27: {  	s1 =	rddreg [dreg:$0x1];
	p0 =	sne.s32 s2, $0x0  }
0x28: {  	s3 =	rddreg [dreg:$0x2];
	[bflag:$0x3] =	sbarrier.arrive $0xFFFF;
	s2 =	simm.s32 @!p0 $0x1C02  }
0x29: {  	[timem:s3], [sflag:s2] =	dma.local @!p0 [hbm:s0], s1  }
0x2a: {  	s0 =	simm.s32 @!p0 $0x2  }
0x2b: {  	_ =	swait.ge @!p0 [sflag:s0], s1  }
0x2c: {  	s1 =	ssub.s32 @!p0 $0x0, s1;
	[sflag:s0] =	ssyncset.done @!p0 $0x0  }
0x2d: {  	[sflag:s0] =	ssyncadd.s32 @!p0 s1  }
0x2e: {  	[bflag:$0x3] =	sbarrier.arrive $0xFFFF  }
0x2f: {  	_ =	shalt  }

</sc_bundles>
